<compile_context>
chip_gen: v7x
topology: tpu7x:2x2x1
jax: 0.10.2.dev20260603
libtpu: 0.0.44.dev20260713+nightly
codegen_flags: <defaults>
</compile_context>

<pallas_src>
import jax
import jax.numpy as jnp
from jax import lax
from jax.experimental import pallas as pl
from jax.experimental.pallas import tpu as pltpu
from jax.experimental.pallas import tpu_sc as plsc

B = 4096
H = 50
D = 64
VOCAB = 1000000
NC = 2
NS = 16
L = 16
NW = NC * NS
BPW = B // NW
NBLK = VOCAB // 128
TPROWS = VOCAB // 2
NT = 245
CE = 2
CHUNK_IDX = CE * H
NCHUNK = BPW // CE
INV_H = 1.0 / H


TCOLS = 2048
TGRID = (VOCAB + TCOLS - 1) // TCOLS
TPR2 = TGRID * (TCOLS // 2)


def _tr_body(x_ref, o_ref):
  eye = (lax.broadcasted_iota(jnp.int32, (256, 256), 0) ==
         lax.broadcasted_iota(jnp.int32, (256, 256), 1)).astype(jnp.bfloat16)
  dn = (((0,), (0,)), ((), ()))
  for h in range(2):
    xcat = jnp.concatenate(
        [x_ref[:, pl.ds(s * 512 + h * 256, 256)] for s in range(4)],
        axis=0).astype(jnp.bfloat16)
    out = lax.dot_general(xcat, eye, dn, preferred_element_type=jnp.float32)
    for s in range(4):
      o_ref[pl.ds(s * 256, 256), pl.ds(h * 64, 64)] = out[:, s * 64:(s + 1) * 64]


def _pool_body(tp_hbm, idx_hbm, ne_hbm, out_hbm,
               idx_v, ne_v, rows_v, out_v, gsems):
  wid = lax.axis_index("s") * NC + lax.axis_index("c")
  base = wid * BPW

  pltpu.sync_copy(idx_hbm.at[wid], idx_v)
  pltpu.sync_copy(ne_hbm.at[wid], ne_v)

  def issue(c, u):
    pltpu.async_copy(tp_hbm.at[idx_v.at[c]], rows_v.at[u], gsems.at[u])

  issue(0, 0)
  issue(1, 1)

  def accum_elem(u, el, c):
    r = c * CE + el
    ne = ne_v[r // 8, pl.ds((r % 8) * L, L)][0]
    rbase = el * H

    def lo(j, acc):
      return tuple(acc[k] + rows_v[u, rbase + j, pl.ds(k * L, L)]
                   for k in range(4))

    def hi(j, acc):
      return tuple(acc[k] + rows_v[u, rbase + j, pl.ds(64 + k * L, L)]
                   for k in range(4))

    acc = tuple(jnp.zeros((L,), jnp.float32) for _ in range(4))
    acc = lax.fori_loop(0, ne, lo, acc)
    acc = lax.fori_loop(ne, H, hi, acc)
    for k in range(4):
      out_v[r, pl.ds(k * L, L)] = acc[k] * INV_H

  def step(g, carry):
    for u in range(2):
      c = g * 2 + u
      pltpu.make_async_copy(tp_hbm.at[idx_v.at[c]], rows_v.at[u],
                            gsems.at[u]).wait()
      for el in range(CE):
        accum_elem(u, el, c)

      @pl.when(c + 2 < NCHUNK)
      def _next():
        issue(c + 2, u)
    return carry

  lax.fori_loop(0, NCHUNK // 2, step, 0)
  pltpu.sync_copy(out_v, out_hbm.at[pl.ds(base, BPW)])


@jax.jit
def _run(embt, idx2, ne):
  mesh = plsc.VectorSubcoreMesh(core_axis_name="c", subcore_axis_name="s")
  params = pltpu.CompilerParams(use_tc_tiling_on_sc=True)
  tp = pl.pallas_call(
      _tr_body,
      grid=(TGRID,),
      in_specs=[pl.BlockSpec((D, TCOLS), lambda i: (0, i))],
      out_specs=pl.BlockSpec((TCOLS // 2, 128), lambda i: (i, 0)),
      out_shape=jax.ShapeDtypeStruct((TPR2, 128), jnp.float32),
  )(embt)
  return pl.kernel(
      _pool_body,
      out_type=jax.ShapeDtypeStruct((B, D), jnp.float32),
      mesh=mesh,
      scratch_types=[
          pltpu.VMEM((NCHUNK, CHUNK_IDX), jnp.int32),
          pltpu.VMEM((16, 128), jnp.int32),
          pltpu.VMEM((2, CHUNK_IDX, 128), jnp.float32),
          pltpu.VMEM((BPW, D), jnp.float32),
          pltpu.SemaphoreType.DMA((2,)),
      ],
      compiler_params=params,
  )(tp, idx2, ne)


def kernel(text, text_length, embeddings):
  del text_length
  t = text.astype(jnp.int32)
  pr = (t >> 9) * 256 + (t & 255)
  half = (t >> 8) & 1
  tagged = jnp.sort(half * (1 << 24) + pr, axis=1)
  idx2 = (tagged & ((1 << 24) - 1)).reshape(NW, NCHUNK, CHUNK_IDX)
  ne = H - jnp.sum(half, axis=1, dtype=jnp.int32)
  ne = jnp.repeat(ne.reshape(NW, BPW), 16, axis=1).reshape(NW, 16, 128)
  embt = embeddings.T
  return _run(embt, idx2, ne)

# --- scband reference (transcript-rebuilt; emitter-appended) ---
"""Pipeline reference for scband-baseline-26585847562593 (READ-ONLY COPY).

The authoritative reference and input builder live on the scoring server;
editing this copy changes nothing except your own understanding.
"""

import jax, jax.numpy as jnp
import numpy as np

VOCAB = 1000000
EMBED_DIM = 64
BATCH = 4096
HIST = 50

def setup_inputs(seed: int = 0) -> dict:
    key = jax.random.key(seed)
    k1, k2, k3 = jax.random.split(key, 3)
    text = jax.random.randint(k1, (BATCH, HIST), 0, VOCAB, dtype=jnp.int64)
    text_length = jax.random.randint(k2, (BATCH,), 1, HIST + 1, dtype=jnp.int64)
    embeddings = jax.random.normal(k3, (VOCAB, EMBED_DIM), dtype=jnp.float32)
    return {"text": text, "text_length": text_length, "embeddings": embeddings}

def reference(text, text_length, embeddings):
    # nn.Embedding lookup (frozen table) -> gather rows
    embedded = jnp.take(embeddings, text, axis=0)  # [B, L, D]
    # torch.mean over dim=1 (text_length is ignored by the original module)
    mean_embedded = jnp.mean(embedded, axis=1)  # [B, D]
    return mean_embedded

if __name__ == "__main__":
    import jax
    _d = setup_inputs()
    print(jax.jit(kernel)(*tuple(_d.values())))

</pallas_src>

<mosaic_0001>
#map = affine_map<(d0, d1) -> (0, 0)>
#map1 = affine_map<(d0, d1) -> (0, 0, 0)>
module attributes {stable_mosaic.version = 14 : i64} {
  func.func @_pool_body(%arg0: i32, %arg1: i32, %arg2: memref<500736x128xf32, #tpu.memory_space<hbm>>, %arg3: memref<32x64x100xi32, #tpu.memory_space<hbm>>, %arg4: memref<32x16x128xi32, #tpu.memory_space<hbm>>, %arg5: memref<4096x64xf32, #tpu.memory_space<hbm>>, %arg6: memref<64x100xi32, #tpu.memory_space<vmem>>, %arg7: memref<16x128xi32, #tpu.memory_space<vmem>>, %arg8: memref<2x100x128xf32, #tpu.memory_space<vmem>>, %arg9: memref<128x64xf32, #tpu.memory_space<vmem>>, %arg10: memref<2x!tpu.dma_semaphore, #tpu.memory_space<semaphore_mem>>) attributes {dimension_semantics = [#tpu.dimension_semantics<core_parallel>, #tpu.dimension_semantics<subcore_parallel>], iteration_bounds = array<i64: 2, 16>, scalar_prefetch = 0 : i64, scratch_operands = 5 : i64, tpu.core_type = #tpu.core_type<sc_vector_subcore>, window_params = [{transform_indices = #map}, {transform_indices = #map1}, {transform_indices = #map1}, {transform_indices = #map}]} {
    %mul3A = arith.constant 2 : i32
    %mul3A_0 = arith.muli %arg1, %mul3A : i32
    %add3A = arith.addi %mul3A_0, %arg0 : i32
    %mul3A_1 = arith.constant 128 : i32
    %mul3A_2 = arith.muli %add3A, %mul3A_1 : i32
    "tpu.region"() ({
      %run_scoped3A = tpu.sem_alloc : memref<!tpu.dma_semaphore, #tpu.memory_space<semaphore_mem>>
      %dma_start3A_37 = arith.constant 0 : i32
      %dma_start3A_38 = arith.constant 0 : i32
      %dma_start3A_39 = tpu.memref_slice %arg3[%add3A, %dma_start3A_37, %dma_start3A_38] : memref<32x64x100xi32, #tpu.memory_space<hbm>> -> memref<1x64x100xi32, #tpu.memory_space<hbm>>
      %dma_start3A_40 = tpu.memref_squeeze %dma_start3A_39 : memref<1x64x100xi32, #tpu.memory_space<hbm>> -> memref<64x100xi32, #tpu.memory_space<hbm>>
      %dma_start3A_41 = arith.constant 0 : i32
      %dma_start3A_42 = arith.constant 0 : i32
      %dma_start3A_43 = tpu.memref_slice %arg3[%add3A, %dma_start3A_41, %dma_start3A_42] : memref<32x64x100xi32, #tpu.memory_space<hbm>> -> memref<1x64x100xi32, #tpu.memory_space<hbm>>
      %dma_start3A_44 = tpu.memref_squeeze %dma_start3A_43 : memref<1x64x100xi32, #tpu.memory_space<hbm>> -> memref<64x100xi32, #tpu.memory_space<hbm>>
      tpu.enqueue_dma source(%dma_start3A_44 : memref<64x100xi32, #tpu.memory_space<hbm>>) target(%arg6 : memref<64x100xi32, #tpu.memory_space<vmem>>) target_semaphore(%run_scoped3A : memref<!tpu.dma_semaphore, #tpu.memory_space<semaphore_mem>>)
      %dma_wait3A = arith.constant 0 : i32
      %dma_wait3A_45 = arith.constant 0 : i32
      %dma_wait3A_46 = tpu.memref_slice %arg3[%add3A, %dma_wait3A, %dma_wait3A_45] : memref<32x64x100xi32, #tpu.memory_space<hbm>> -> memref<1x64x100xi32, #tpu.memory_space<hbm>>
      %dma_wait3A_47 = tpu.memref_squeeze %dma_wait3A_46 : memref<1x64x100xi32, #tpu.memory_space<hbm>> -> memref<64x100xi32, #tpu.memory_space<hbm>>
      %dma_wait3A_48 = arith.constant 0 : i32
      %dma_wait3A_49 = arith.constant 0 : i32
      %dma_wait3A_50 = tpu.memref_slice %arg3[%add3A, %dma_wait3A_48, %dma_wait3A_49] : memref<32x64x100xi32, #tpu.memory_space<hbm>> -> memref<1x64x100xi32, #tpu.memory_space<hbm>>
      %dma_wait3A_51 = tpu.memref_squeeze %dma_wait3A_50 : memref<1x64x100xi32, #tpu.memory_space<hbm>> -> memref<64x100xi32, #tpu.memory_space<hbm>>
      tpu.wait_dma2 semaphore(%run_scoped3A : memref<!tpu.dma_semaphore, #tpu.memory_space<semaphore_mem>>) src(%dma_wait3A_51 : memref<64x100xi32, #tpu.memory_space<hbm>>) dst(%arg6 : memref<64x100xi32, #tpu.memory_space<vmem>>)
      tpu.yield
    }) : () -> ()
    "tpu.region"() ({
      %run_scoped3A = tpu.sem_alloc : memref<!tpu.dma_semaphore, #tpu.memory_space<semaphore_mem>>
      %dma_start3A_37 = arith.constant 0 : i32
      %dma_start3A_38 = arith.constant 0 : i32
      %dma_start3A_39 = tpu.memref_slice %arg4[%add3A, %dma_start3A_37, %dma_start3A_38] : memref<32x16x128xi32, #tpu.memory_space<hbm>> -> memref<1x16x128xi32, #tpu.memory_space<hbm>>
      %dma_start3A_40 = tpu.memref_squeeze %dma_start3A_39 : memref<1x16x128xi32, #tpu.memory_space<hbm>> -> memref<16x128xi32, #tpu.memory_space<hbm>>
      %dma_start3A_41 = arith.constant 0 : i32
      %dma_start3A_42 = arith.constant 0 : i32
      %dma_start3A_43 = tpu.memref_slice %arg4[%add3A, %dma_start3A_41, %dma_start3A_42] : memref<32x16x128xi32, #tpu.memory_space<hbm>> -> memref<1x16x128xi32, #tpu.memory_space<hbm>>
      %dma_start3A_44 = tpu.memref_squeeze %dma_start3A_43 : memref<1x16x128xi32, #tpu.memory_space<hbm>> -> memref<16x128xi32, #tpu.memory_space<hbm>>
      tpu.enqueue_dma source(%dma_start3A_44 : memref<16x128xi32, #tpu.memory_space<hbm>>) target(%arg7 : memref<16x128xi32, #tpu.memory_space<vmem>>) target_semaphore(%run_scoped3A : memref<!tpu.dma_semaphore, #tpu.memory_space<semaphore_mem>>)
      %dma_wait3A = arith.constant 0 : i32
      %dma_wait3A_45 = arith.constant 0 : i32
      %dma_wait3A_46 = tpu.memref_slice %arg4[%add3A, %dma_wait3A, %dma_wait3A_45] : memref<32x16x128xi32, #tpu.memory_space<hbm>> -> memref<1x16x128xi32, #tpu.memory_space<hbm>>
      %dma_wait3A_47 = tpu.memref_squeeze %dma_wait3A_46 : memref<1x16x128xi32, #tpu.memory_space<hbm>> -> memref<16x128xi32, #tpu.memory_space<hbm>>
      %dma_wait3A_48 = arith.constant 0 : i32
      %dma_wait3A_49 = arith.constant 0 : i32
      %dma_wait3A_50 = tpu.memref_slice %arg4[%add3A, %dma_wait3A_48, %dma_wait3A_49] : memref<32x16x128xi32, #tpu.memory_space<hbm>> -> memref<1x16x128xi32, #tpu.memory_space<hbm>>
      %dma_wait3A_51 = tpu.memref_squeeze %dma_wait3A_50 : memref<1x16x128xi32, #tpu.memory_space<hbm>> -> memref<16x128xi32, #tpu.memory_space<hbm>>
      tpu.wait_dma2 semaphore(%run_scoped3A : memref<!tpu.dma_semaphore, #tpu.memory_space<semaphore_mem>>) src(%dma_wait3A_51 : memref<16x128xi32, #tpu.memory_space<hbm>>) dst(%arg7 : memref<16x128xi32, #tpu.memory_space<vmem>>)
      tpu.yield
    }) : () -> ()
    %dma_start3A = arith.constant 0 : i32
    %dma_start3A_3 = arith.constant 0 : i32
    %dma_start3A_4 = arith.constant 0 : i32
    %dma_start3A_5 = arith.constant 0 : i32
    %dma_start3A_6 = arith.constant 0 : i32
    %dma_start3A_7 = tpu.memref_slice %arg8[%dma_start3A_3, %dma_start3A_5, %dma_start3A_6] : memref<2x100x128xf32, #tpu.memory_space<vmem>> -> memref<1x100x128xf32, #tpu.memory_space<vmem>>
    %dma_start3A_8 = tpu.memref_squeeze %dma_start3A_7 : memref<1x100x128xf32, #tpu.memory_space<vmem>> -> memref<100x128xf32, #tpu.memory_space<vmem>>
    %dma_start3A_9 = arith.constant 0 : i32
    %dma_start3A_10 = tpu.memref_slice %arg6[%dma_start3A, %dma_start3A_9] : memref<64x100xi32, #tpu.memory_space<vmem>> -> memref<1x100xi32, #tpu.memory_space<vmem>>
    %dma_start3A_11 = tpu.memref_squeeze %dma_start3A_10 : memref<1x100xi32, #tpu.memory_space<vmem>> -> memref<100xi32, #tpu.memory_space<vmem>>
    %dma_start3A_12 = arith.constant 0 : i32
    %dma_start3A_13 = arith.constant 0 : i32
    %dma_start3A_14 = tpu.memref_slice %arg2[%dma_start3A_12, %dma_start3A_13] : memref<500736x128xf32, #tpu.memory_space<hbm>> -> memref<500736x128xf32, #tpu.memory_space<hbm>>
    %dma_start3A_15 = tpu.memref_slice %arg10[%dma_start3A_4] : memref<2x!tpu.dma_semaphore, #tpu.memory_space<semaphore_mem>> -> memref<1x!tpu.dma_semaphore, #tpu.memory_space<semaphore_mem>>
    %dma_start3A_16 = tpu.memref_squeeze %dma_start3A_15 : memref<1x!tpu.dma_semaphore, #tpu.memory_space<semaphore_mem>> -> memref<!tpu.dma_semaphore, #tpu.memory_space<semaphore_mem>>
    tpu.enqueue_indirect_dma source(%dma_start3A_14 : memref<500736x128xf32, #tpu.memory_space<hbm>>) target(%dma_start3A_8 : memref<100x128xf32, #tpu.memory_space<vmem>>) offsets(%dma_start3A_11 : memref<100xi32, #tpu.memory_space<vmem>>) semaphore(%dma_start3A_16 : memref<!tpu.dma_semaphore, #tpu.memory_space<semaphore_mem>>)
    %dma_start3A_17 = arith.constant 1 : i32
    %dma_start3A_18 = arith.constant 1 : i32
    %dma_start3A_19 = arith.constant 1 : i32
    %dma_start3A_20 = arith.constant 0 : i32
    %dma_start3A_21 = arith.constant 0 : i32
    %dma_start3A_22 = tpu.memref_slice %arg8[%dma_start3A_18, %dma_start3A_20, %dma_start3A_21] : memref<2x100x128xf32, #tpu.memory_space<vmem>> -> memref<1x100x128xf32, #tpu.memory_space<vmem>>
    %dma_start3A_23 = tpu.memref_squeeze %dma_start3A_22 : memref<1x100x128xf32, #tpu.memory_space<vmem>> -> memref<100x128xf32, #tpu.memory_space<vmem>>
    %dma_start3A_24 = arith.constant 0 : i32
    %dma_start3A_25 = tpu.memref_slice %arg6[%dma_start3A_17, %dma_start3A_24] : memref<64x100xi32, #tpu.memory_space<vmem>> -> memref<1x100xi32, #tpu.memory_space<vmem>>
    %dma_start3A_26 = tpu.memref_squeeze %dma_start3A_25 : memref<1x100xi32, #tpu.memory_space<vmem>> -> memref<100xi32, #tpu.memory_space<vmem>>
    %dma_start3A_27 = arith.constant 0 : i32
    %dma_start3A_28 = arith.constant 0 : i32
    %dma_start3A_29 = tpu.memref_slice %arg2[%dma_start3A_27, %dma_start3A_28] : memref<500736x128xf32, #tpu.memory_space<hbm>> -> memref<500736x128xf32, #tpu.memory_space<hbm>>
    %dma_start3A_30 = tpu.memref_slice %arg10[%dma_start3A_19] : memref<2x!tpu.dma_semaphore, #tpu.memory_space<semaphore_mem>> -> memref<1x!tpu.dma_semaphore, #tpu.memory_space<semaphore_mem>>
    %dma_start3A_31 = tpu.memref_squeeze %dma_start3A_30 : memref<1x!tpu.dma_semaphore, #tpu.memory_space<semaphore_mem>> -> memref<!tpu.dma_semaphore, #tpu.memory_space<semaphore_mem>>
    tpu.enqueue_indirect_dma source(%dma_start3A_29 : memref<500736x128xf32, #tpu.memory_space<hbm>>) target(%dma_start3A_23 : memref<100x128xf32, #tpu.memory_space<vmem>>) offsets(%dma_start3A_26 : memref<100xi32, #tpu.memory_space<vmem>>) semaphore(%dma_start3A_31 : memref<!tpu.dma_semaphore, #tpu.memory_space<semaphore_mem>>)
    %scan3A = arith.constant 0 : i32
    %scan3A_32 = arith.constant 0 : i32
    %scan3A_33 = arith.constant 32 : i32
    %scan3A_34 = arith.addi %scan3A_32, %scan3A_33 : i32
    %scan3A_35 = arith.constant 1 : i32
    scf.for %scan3A_37 = %scan3A_32 to %scan3A_34 step %scan3A_35  : i32 {
      %mul3A_38 = arith.constant 2 : i32
      %mul3A_39 = arith.muli %scan3A_37, %mul3A_38 : i32
      %add3A_40 = arith.constant 0 : i32
      %add3A_41 = arith.addi %mul3A_39, %add3A_40 : i32
      %dma_wait3A = arith.constant 0 : i32
      %dma_wait3A_42 = arith.constant 0 : i32
      %dma_wait3A_43 = arith.constant 0 : i32
      %dma_wait3A_44 = arith.constant 0 : i32
      %dma_wait3A_45 = tpu.memref_slice %arg8[%dma_wait3A, %dma_wait3A_43, %dma_wait3A_44] : memref<2x100x128xf32, #tpu.memory_space<vmem>> -> memref<1x100x128xf32, #tpu.memory_space<vmem>>
      %dma_wait3A_46 = tpu.memref_squeeze %dma_wait3A_45 : memref<1x100x128xf32, #tpu.memory_space<vmem>> -> memref<100x128xf32, #tpu.memory_space<vmem>>
      %dma_wait3A_47 = arith.constant 0 : i32
      %dma_wait3A_48 = tpu.memref_slice %arg6[%add3A_41, %dma_wait3A_47] : memref<64x100xi32, #tpu.memory_space<vmem>> -> memref<1x100xi32, #tpu.memory_space<vmem>>
      %dma_wait3A_49 = tpu.memref_squeeze %dma_wait3A_48 : memref<1x100xi32, #tpu.memory_space<vmem>> -> memref<100xi32, #tpu.memory_space<vmem>>
      %dma_wait3A_50 = arith.constant 0 : i32
      %dma_wait3A_51 = arith.constant 0 : i32
      %dma_wait3A_52 = tpu.memref_slice %arg2[%dma_wait3A_50, %dma_wait3A_51] : memref<500736x128xf32, #tpu.memory_space<hbm>> -> memref<500736x128xf32, #tpu.memory_space<hbm>>
      %dma_wait3A_53 = tpu.memref_slice %arg10[%dma_wait3A_42] : memref<2x!tpu.dma_semaphore, #tpu.memory_space<semaphore_mem>> -> memref<1x!tpu.dma_semaphore, #tpu.memory_space<semaphore_mem>>
      %dma_wait3A_54 = tpu.memref_squeeze %dma_wait3A_53 : memref<1x!tpu.dma_semaphore, #tpu.memory_space<semaphore_mem>> -> memref<!tpu.dma_semaphore, #tpu.memory_space<semaphore_mem>>
      tpu.wait_indirect_dma semaphore(%dma_wait3A_54 : memref<!tpu.dma_semaphore, #tpu.memory_space<semaphore_mem>>) src(%dma_wait3A_52 : memref<500736x128xf32, #tpu.memory_space<hbm>>) dst(%dma_wait3A_46 : memref<100x128xf32, #tpu.memory_space<vmem>>)
      %mul3A_55 = arith.constant 2 : i32
      %mul3A_56 = arith.muli %add3A_41, %mul3A_55 : i32
      %add3A_57 = arith.constant 0 : i32
      %add3A_58 = arith.addi %mul3A_56, %add3A_57 : i32
      %jit3A = arith.constant 8 : i32
      %div3A = arith.divsi %add3A_58, %jit3A : i32
      %sign3A = arith.constant 0 : i32
      %sign3A_59 = arith.cmpi sgt, %add3A_58, %sign3A : i32
      %sign3A_60 = arith.extui %sign3A_59 : i1 to i32
      %sign3A_61 = arith.constant 0 : i32
      %sign3A_62 = arith.cmpi slt, %add3A_58, %sign3A_61 : i32
      %sign3A_63 = arith.extui %sign3A_62 : i1 to i32
      %sign3A_64 = arith.subi %sign3A_60, %sign3A_63 : i32
      %sign3A_65 = arith.constant 0 : i32
      %sign3A_66 = arith.cmpi sgt, %jit3A, %sign3A_65 : i32
      %sign3A_67 = arith.extui %sign3A_66 : i1 to i32
      %sign3A_68 = arith.constant 0 : i32
      %sign3A_69 = arith.cmpi slt, %jit3A, %sign3A_68 : i32
      %sign3A_70 = arith.extui %sign3A_69 : i1 to i32
      %sign3A_71 = arith.subi %sign3A_67, %sign3A_70 : i32
      %ne3A = arith.cmpi ne, %sign3A_64, %sign3A_71 : i32
      %rem3A = arith.remsi %add3A_58, %jit3A : i32
      %ne3A_72 = arith.constant 0 : i32
      %ne3A_73 = arith.cmpi ne, %rem3A, %ne3A_72 : i32
      %and3A = arith.andi %ne3A, %ne3A_73 : i1
      %sub3A = arith.constant 1 : i32
      %sub3A_74 = arith.subi %div3A, %sub3A : i32
      %select_n3A = arith.select %and3A, %sub3A_74, %div3A : i32
      %jit3A_75 = arith.constant 8 : i32
      %eq3A = arith.constant 0 : i32
      %eq3A_76 = arith.cmpi eq, %jit3A_75, %eq3A : i32
      %jit3A_77 = arith.constant 1 : i32
      %select_n3A_78 = arith.select %eq3A_76, %jit3A_77, %jit3A_75 : i32
      %rem3A_79 = arith.remsi %add3A_58, %select_n3A_78 : i32
      %ne3A_80 = arith.constant 0 : i32
      %ne3A_81 = arith.cmpi ne, %rem3A_79, %ne3A_80 : i32
      %lt3A = arith.constant 0 : i32
      %lt3A_82 = arith.cmpi slt, %rem3A_79, %lt3A : i32
      %lt3A_83 = arith.constant 0 : i32
      %lt3A_84 = arith.cmpi slt, %select_n3A_78, %lt3A_83 : i32
      %ne3A_85 = arith.xori %lt3A_82, %lt3A_84 : i1
      %and3A_86 = arith.andi %ne3A_85, %ne3A_81 : i1
      %add3A_87 = arith.addi %rem3A_79, %select_n3A_78 : i32
      %select_n3A_88 = arith.select %and3A_86, %add3A_87, %rem3A_79 : i32
      %mul3A_89 = arith.constant 16 : i32
      %mul3A_90 = arith.muli %select_n3A_88, %mul3A_89 : i32
      %get3A = arith.index_cast %select_n3A : i32 to index
      %get3A_91 = arith.index_cast %mul3A_90 : i32 to index
      %get3A_92 = tpu.vector_load %arg7[%get3A, %get3A_91] {strides = array<i32>} : memref<16x128xi32, #tpu.memory_space<vmem>>, vector<1x16xi32>,
      %get3A_93 = vector.shape_cast %get3A_92 : vector<1x16xi32> to vector<16xi32>
      %slice3A = vector.extract_strided_slice %get3A_93 {offsets = [0], sizes = [1], strides = [1]} : vector<16xi32> to vector<1xi32>
      %squeeze3A = vector.extract %slice3A[0] : i32 from vector<1xi32>
      %broadcast_in_dim3A = arith.constant 0.000000e+00 : f32
      %broadcast_in_dim3A_94 = vector.broadcast %broadcast_in_dim3A : f32 to vector<16xf32>
      %broadcast_in_dim3A_95 = arith.constant 0.000000e+00 : f32
      %broadcast_in_dim3A_96 = vector.broadcast %broadcast_in_dim3A_95 : f32 to vector<16xf32>
      %broadcast_in_dim3A_97 = arith.constant 0.000000e+00 : f32
      %broadcast_in_dim3A_98 = vector.broadcast %broadcast_in_dim3A_97 : f32 to vector<16xf32>
      %broadcast_in_dim3A_99 = arith.constant 0.000000e+00 : f32
      %broadcast_in_dim3A_100 = vector.broadcast %broadcast_in_dim3A_99 : f32 to vector<16xf32>
      %while3A = arith.constant 0 : i32
      %while3A_101 = arith.subi %squeeze3A, %while3A : i32
      %while3A_102 = arith.addi %while3A, %while3A_101 : i32
      %while3A_103 = arith.constant 1 : i32
      %while3A_104 = arith.divsi %while3A_101, %while3A_103 : i32
      %while3A_105 = arith.muli %while3A_104, %while3A_103 : i32
      %while3A_106 = arith.addi %while3A, %while3A_105 : i32
      %while3A_107 = arith.constant 1 : i32
      %while3A_108:4 = scf.for %while3A_525 = %while3A to %while3A_106 step %while3A_107 iter_args(%while3A_526 = %broadcast_in_dim3A_94, %while3A_527 = %broadcast_in_dim3A_96, %while3A_528 = %broadcast_in_dim3A_98, %while3A_529 = %broadcast_in_dim3A_100) -> (vector<16xf32>, vector<16xf32>, vector<16xf32>, vector<16xf32>)  : i32 {
        %add3A_530 = arith.constant 0 : i32
        %add3A_531 = arith.addi %add3A_530, %while3A_525 : i32
        %get3A_532 = arith.constant 0 : i32
        %get3A_533 = arith.index_cast %get3A_532 : i32 to index
        %get3A_534 = arith.index_cast %add3A_531 : i32 to index
        %get3A_535 = arith.constant 0 : index
        %get3A_536 = tpu.vector_load %arg8[%get3A_533, %get3A_534, %get3A_535] {strides = array<i32>} : memref<2x100x128xf32, #tpu.memory_space<vmem>>, vector<1x1x16xf32>,
        %get3A_537 = vector.shape_cast %get3A_536 : vector<1x1x16xf32> to vector<16xf32>
        %add3A_538 = arith.addf %while3A_526, %get3A_537 : vector<16xf32>
        %add3A_539 = arith.constant 0 : i32
        %add3A_540 = arith.addi %add3A_539, %while3A_525 : i32
        %get3A_541 = arith.constant 0 : i32
        %get3A_542 = arith.index_cast %get3A_541 : i32 to index
        %get3A_543 = arith.index_cast %add3A_540 : i32 to index
        %get3A_544 = arith.constant 16 : index
        %get3A_545 = tpu.vector_load %arg8[%get3A_542, %get3A_543, %get3A_544] {strides = array<i32>} : memref<2x100x128xf32, #tpu.memory_space<vmem>>, vector<1x1x16xf32>,
        %get3A_546 = vector.shape_cast %get3A_545 : vector<1x1x16xf32> to vector<16xf32>
        %add3A_547 = arith.addf %while3A_527, %get3A_546 : vector<16xf32>
        %add3A_548 = arith.constant 0 : i32
        %add3A_549 = arith.addi %add3A_548, %while3A_525 : i32
        %get3A_550 = arith.constant 0 : i32
        %get3A_551 = arith.index_cast %get3A_550 : i32 to index
        %get3A_552 = arith.index_cast %add3A_549 : i32 to index
        %get3A_553 = arith.constant 32 : index
        %get3A_554 = tpu.vector_load %arg8[%get3A_551, %get3A_552, %get3A_553] {strides = array<i32>} : memref<2x100x128xf32, #tpu.memory_space<vmem>>, vector<1x1x16xf32>,
        %get3A_555 = vector.shape_cast %get3A_554 : vector<1x1x16xf32> to vector<16xf32>
        %add3A_556 = arith.addf %while3A_528, %get3A_555 : vector<16xf32>
        %add3A_557 = arith.constant 0 : i32
        %add3A_558 = arith.addi %add3A_557, %while3A_525 : i32
        %get3A_559 = arith.constant 0 : i32
        %get3A_560 = arith.index_cast %get3A_559 : i32 to index
        %get3A_561 = arith.index_cast %add3A_558 : i32 to index
        %get3A_562 = arith.constant 48 : index
        %get3A_563 = tpu.vector_load %arg8[%get3A_560, %get3A_561, %get3A_562] {strides = array<i32>} : memref<2x100x128xf32, #tpu.memory_space<vmem>>, vector<1x1x16xf32>,
        %get3A_564 = vector.shape_cast %get3A_563 : vector<1x1x16xf32> to vector<16xf32>
        %add3A_565 = arith.addf %while3A_529, %get3A_564 : vector<16xf32>
        scf.yield %add3A_538, %add3A_547, %add3A_556, %add3A_565 : vector<16xf32>, vector<16xf32>, vector<16xf32>, vector<16xf32>
      }
      %while3A_109 = arith.constant 1 : i32
      %while3A_110:4 = scf.for %while3A_525 = %while3A_106 to %while3A_102 step %while3A_109 iter_args(%while3A_526 = %while3A_108#0, %while3A_527 = %while3A_108#1, %while3A_528 = %while3A_108#2, %while3A_529 = %while3A_108#3) -> (vector<16xf32>, vector<16xf32>, vector<16xf32>, vector<16xf32>)  : i32 {
        %add3A_530 = arith.constant 0 : i32
        %add3A_531 = arith.addi %add3A_530, %while3A_525 : i32
        %get3A_532 = arith.constant 0 : i32
        %get3A_533 = arith.index_cast %get3A_532 : i32 to index
        %get3A_534 = arith.index_cast %add3A_531 : i32 to index
        %get3A_535 = arith.constant 0 : index
        %get3A_536 = tpu.vector_load %arg8[%get3A_533, %get3A_534, %get3A_535] {strides = array<i32>} : memref<2x100x128xf32, #tpu.memory_space<vmem>>, vector<1x1x16xf32>,
        %get3A_537 = vector.shape_cast %get3A_536 : vector<1x1x16xf32> to vector<16xf32>
        %add3A_538 = arith.addf %while3A_526, %get3A_537 : vector<16xf32>
        %add3A_539 = arith.constant 0 : i32
        %add3A_540 = arith.addi %add3A_539, %while3A_525 : i32
        %get3A_541 = arith.constant 0 : i32
        %get3A_542 = arith.index_cast %get3A_541 : i32 to index
        %get3A_543 = arith.index_cast %add3A_540 : i32 to index
        %get3A_544 = arith.constant 16 : index
        %get3A_545 = tpu.vector_load %arg8[%get3A_542, %get3A_543, %get3A_544] {strides = array<i32>} : memref<2x100x128xf32, #tpu.memory_space<vmem>>, vector<1x1x16xf32>,
        %get3A_546 = vector.shape_cast %get3A_545 : vector<1x1x16xf32> to vector<16xf32>
        %add3A_547 = arith.addf %while3A_527, %get3A_546 : vector<16xf32>
        %add3A_548 = arith.constant 0 : i32
        %add3A_549 = arith.addi %add3A_548, %while3A_525 : i32
        %get3A_550 = arith.constant 0 : i32
        %get3A_551 = arith.index_cast %get3A_550 : i32 to index
        %get3A_552 = arith.index_cast %add3A_549 : i32 to index
        %get3A_553 = arith.constant 32 : index
        %get3A_554 = tpu.vector_load %arg8[%get3A_551, %get3A_552, %get3A_553] {strides = array<i32>} : memref<2x100x128xf32, #tpu.memory_space<vmem>>, vector<1x1x16xf32>,
        %get3A_555 = vector.shape_cast %get3A_554 : vector<1x1x16xf32> to vector<16xf32>
        %add3A_556 = arith.addf %while3A_528, %get3A_555 : vector<16xf32>
        %add3A_557 = arith.constant 0 : i32
        %add3A_558 = arith.addi %add3A_557, %while3A_525 : i32
        %get3A_559 = arith.constant 0 : i32
        %get3A_560 = arith.index_cast %get3A_559 : i32 to index
        %get3A_561 = arith.index_cast %add3A_558 : i32 to index
        %get3A_562 = arith.constant 48 : index
        %get3A_563 = tpu.vector_load %arg8[%get3A_560, %get3A_561, %get3A_562] {strides = array<i32>} : memref<2x100x128xf32, #tpu.memory_space<vmem>>, vector<1x1x16xf32>,
        %get3A_564 = vector.shape_cast %get3A_563 : vector<1x1x16xf32> to vector<16xf32>
        %add3A_565 = arith.addf %while3A_529, %get3A_564 : vector<16xf32>
        scf.yield %add3A_538, %add3A_547, %add3A_556, %add3A_565 : vector<16xf32>, vector<16xf32>, vector<16xf32>, vector<16xf32>
      }
      %while3A_111 = arith.constant 50 : i32
      %while3A_112 = arith.subi %while3A_111, %squeeze3A : i32
      %while3A_113 = arith.addi %squeeze3A, %while3A_112 : i32
      %while3A_114 = arith.constant 1 : i32
      %while3A_115 = arith.divsi %while3A_112, %while3A_114 : i32
      %while3A_116 = arith.muli %while3A_115, %while3A_114 : i32
      %while3A_117 = arith.addi %squeeze3A, %while3A_116 : i32
      %while3A_118 = arith.constant 1 : i32
      %while3A_119:4 = scf.for %while3A_525 = %squeeze3A to %while3A_117 step %while3A_118 iter_args(%while3A_526 = %while3A_110#0, %while3A_527 = %while3A_110#1, %while3A_528 = %while3A_110#2, %while3A_529 = %while3A_110#3) -> (vector<16xf32>, vector<16xf32>, vector<16xf32>, vector<16xf32>)  : i32 {
        %add3A_530 = arith.constant 0 : i32
        %add3A_531 = arith.addi %add3A_530, %while3A_525 : i32
        %get3A_532 = arith.constant 0 : i32
        %get3A_533 = arith.index_cast %get3A_532 : i32 to index
        %get3A_534 = arith.index_cast %add3A_531 : i32 to index
        %get3A_535 = arith.constant 64 : index
        %get3A_536 = tpu.vector_load %arg8[%get3A_533, %get3A_534, %get3A_535] {strides = array<i32>} : memref<2x100x128xf32, #tpu.memory_space<vmem>>, vector<1x1x16xf32>,
        %get3A_537 = vector.shape_cast %get3A_536 : vector<1x1x16xf32> to vector<16xf32>
        %add3A_538 = arith.addf %while3A_526, %get3A_537 : vector<16xf32>
        %add3A_539 = arith.constant 0 : i32
        %add3A_540 = arith.addi %add3A_539, %while3A_525 : i32
        %get3A_541 = arith.constant 0 : i32
        %get3A_542 = arith.index_cast %get3A_541 : i32 to index
        %get3A_543 = arith.index_cast %add3A_540 : i32 to index
        %get3A_544 = arith.constant 80 : index
        %get3A_545 = tpu.vector_load %arg8[%get3A_542, %get3A_543, %get3A_544] {strides = array<i32>} : memref<2x100x128xf32, #tpu.memory_space<vmem>>, vector<1x1x16xf32>,
        %get3A_546 = vector.shape_cast %get3A_545 : vector<1x1x16xf32> to vector<16xf32>
        %add3A_547 = arith.addf %while3A_527, %get3A_546 : vector<16xf32>
        %add3A_548 = arith.constant 0 : i32
        %add3A_549 = arith.addi %add3A_548, %while3A_525 : i32
        %get3A_550 = arith.constant 0 : i32
        %get3A_551 = arith.index_cast %get3A_550 : i32 to index
        %get3A_552 = arith.index_cast %add3A_549 : i32 to index
        %get3A_553 = arith.constant 96 : index
        %get3A_554 = tpu.vector_load %arg8[%get3A_551, %get3A_552, %get3A_553] {strides = array<i32>} : memref<2x100x128xf32, #tpu.memory_space<vmem>>, vector<1x1x16xf32>,
        %get3A_555 = vector.shape_cast %get3A_554 : vector<1x1x16xf32> to vector<16xf32>
        %add3A_556 = arith.addf %while3A_528, %get3A_555 : vector<16xf32>
        %add3A_557 = arith.constant 0 : i32
        %add3A_558 = arith.addi %add3A_557, %while3A_525 : i32
        %get3A_559 = arith.constant 0 : i32
        %get3A_560 = arith.index_cast %get3A_559 : i32 to index
        %get3A_561 = arith.index_cast %add3A_558 : i32 to index
        %get3A_562 = arith.constant 112 : index
        %get3A_563 = tpu.vector_load %arg8[%get3A_560, %get3A_561, %get3A_562] {strides = array<i32>} : memref<2x100x128xf32, #tpu.memory_space<vmem>>, vector<1x1x16xf32>,
        %get3A_564 = vector.shape_cast %get3A_563 : vector<1x1x16xf32> to vector<16xf32>
        %add3A_565 = arith.addf %while3A_529, %get3A_564 : vector<16xf32>
        scf.yield %add3A_538, %add3A_547, %add3A_556, %add3A_565 : vector<16xf32>, vector<16xf32>, vector<16xf32>, vector<16xf32>
      }
      %while3A_120 = arith.constant 1 : i32
      %while3A_121:4 = scf.for %while3A_525 = %while3A_117 to %while3A_113 step %while3A_120 iter_args(%while3A_526 = %while3A_119#0, %while3A_527 = %while3A_119#1, %while3A_528 = %while3A_119#2, %while3A_529 = %while3A_119#3) -> (vector<16xf32>, vector<16xf32>, vector<16xf32>, vector<16xf32>)  : i32 {
        %add3A_530 = arith.constant 0 : i32
        %add3A_531 = arith.addi %add3A_530, %while3A_525 : i32
        %get3A_532 = arith.constant 0 : i32
        %get3A_533 = arith.index_cast %get3A_532 : i32 to index
        %get3A_534 = arith.index_cast %add3A_531 : i32 to index
        %get3A_535 = arith.constant 64 : index
        %get3A_536 = tpu.vector_load %arg8[%get3A_533, %get3A_534, %get3A_535] {strides = array<i32>} : memref<2x100x128xf32, #tpu.memory_space<vmem>>, vector<1x1x16xf32>,
        %get3A_537 = vector.shape_cast %get3A_536 : vector<1x1x16xf32> to vector<16xf32>
        %add3A_538 = arith.addf %while3A_526, %get3A_537 : vector<16xf32>
        %add3A_539 = arith.constant 0 : i32
        %add3A_540 = arith.addi %add3A_539, %while3A_525 : i32
        %get3A_541 = arith.constant 0 : i32
        %get3A_542 = arith.index_cast %get3A_541 : i32 to index
        %get3A_543 = arith.index_cast %add3A_540 : i32 to index
        %get3A_544 = arith.constant 80 : index
        %get3A_545 = tpu.vector_load %arg8[%get3A_542, %get3A_543, %get3A_544] {strides = array<i32>} : memref<2x100x128xf32, #tpu.memory_space<vmem>>, vector<1x1x16xf32>,
        %get3A_546 = vector.shape_cast %get3A_545 : vector<1x1x16xf32> to vector<16xf32>
        %add3A_547 = arith.addf %while3A_527, %get3A_546 : vector<16xf32>
        %add3A_548 = arith.constant 0 : i32
        %add3A_549 = arith.addi %add3A_548, %while3A_525 : i32
        %get3A_550 = arith.constant 0 : i32
        %get3A_551 = arith.index_cast %get3A_550 : i32 to index
        %get3A_552 = arith.index_cast %add3A_549 : i32 to index
        %get3A_553 = arith.constant 96 : index
        %get3A_554 = tpu.vector_load %arg8[%get3A_551, %get3A_552, %get3A_553] {strides = array<i32>} : memref<2x100x128xf32, #tpu.memory_space<vmem>>, vector<1x1x16xf32>,
        %get3A_555 = vector.shape_cast %get3A_554 : vector<1x1x16xf32> to vector<16xf32>
        %add3A_556 = arith.addf %while3A_528, %get3A_555 : vector<16xf32>
        %add3A_557 = arith.constant 0 : i32
        %add3A_558 = arith.addi %add3A_557, %while3A_525 : i32
        %get3A_559 = arith.constant 0 : i32
        %get3A_560 = arith.index_cast %get3A_559 : i32 to index
        %get3A_561 = arith.index_cast %add3A_558 : i32 to index
        %get3A_562 = arith.constant 112 : index
        %get3A_563 = tpu.vector_load %arg8[%get3A_560, %get3A_561, %get3A_562] {strides = array<i32>} : memref<2x100x128xf32, #tpu.memory_space<vmem>>, vector<1x1x16xf32>,
        %get3A_564 = vector.shape_cast %get3A_563 : vector<1x1x16xf32> to vector<16xf32>
        %add3A_565 = arith.addf %while3A_529, %get3A_564 : vector<16xf32>
        scf.yield %add3A_538, %add3A_547, %add3A_556, %add3A_565 : vector<16xf32>, vector<16xf32>, vector<16xf32>, vector<16xf32>
      }
      %mul3A_122 = arith.constant 2.000000e-02 : f32
      %mul3A_123 = vector.broadcast %mul3A_122 : f32 to vector<16xf32>
      %mul3A_124 = arith.mulf %while3A_121#0, %mul3A_123 : vector<16xf32>
      %swap3A = arith.index_cast %add3A_58 : i32 to index
      %swap3A_125 = arith.constant 0 : index
      %swap3A_126 = tpu.vector_load %arg9[%swap3A, %swap3A_125] {strides = array<i32>} : memref<128x64xf32, #tpu.memory_space<vmem>>, vector<1x16xf32>,
      %swap3A_127 = vector.shape_cast %swap3A_126 : vector<1x16xf32> to vector<16xf32>
      %swap3A_128 = vector.shape_cast %mul3A_124 : vector<16xf32> to vector<1x16xf32>
      tpu.vector_store %arg9[%swap3A, %swap3A_125], %swap3A_128 {strides = array<i32>} : memref<128x64xf32, #tpu.memory_space<vmem>>, vector<1x16xf32>,
      %mul3A_129 = arith.constant 2.000000e-02 : f32
      %mul3A_130 = vector.broadcast %mul3A_129 : f32 to vector<16xf32>
      %mul3A_131 = arith.mulf %while3A_121#1, %mul3A_130 : vector<16xf32>
      %swap3A_132 = arith.index_cast %add3A_58 : i32 to index
      %swap3A_133 = arith.constant 16 : index
      %swap3A_134 = tpu.vector_load %arg9[%swap3A_132, %swap3A_133] {strides = array<i32>} : memref<128x64xf32, #tpu.memory_space<vmem>>, vector<1x16xf32>,
      %swap3A_135 = vector.shape_cast %swap3A_134 : vector<1x16xf32> to vector<16xf32>
      %swap3A_136 = vector.shape_cast %mul3A_131 : vector<16xf32> to vector<1x16xf32>
      tpu.vector_store %arg9[%swap3A_132, %swap3A_133], %swap3A_136 {strides = array<i32>} : memref<128x64xf32, #tpu.memory_space<vmem>>, vector<1x16xf32>,
      %mul3A_137 = arith.constant 2.000000e-02 : f32
      %mul3A_138 = vector.broadcast %mul3A_137 : f32 to vector<16xf32>
      %mul3A_139 = arith.mulf %while3A_121#2, %mul3A_138 : vector<16xf32>
      %swap3A_140 = arith.index_cast %add3A_58 : i32 to index
      %swap3A_141 = arith.constant 32 : index
      %swap3A_142 = tpu.vector_load %arg9[%swap3A_140, %swap3A_141] {strides = array<i32>} : memref<128x64xf32, #tpu.memory_space<vmem>>, vector<1x16xf32>,
      %swap3A_143 = vector.shape_cast %swap3A_142 : vector<1x16xf32> to vector<16xf32>
      %swap3A_144 = vector.shape_cast %mul3A_139 : vector<16xf32> to vector<1x16xf32>
      tpu.vector_store %arg9[%swap3A_140, %swap3A_141], %swap3A_144 {strides = array<i32>} : memref<128x64xf32, #tpu.memory_space<vmem>>, vector<1x16xf32>,
      %mul3A_145 = arith.constant 2.000000e-02 : f32
      %mul3A_146 = vector.broadcast %mul3A_145 : f32 to vector<16xf32>
      %mul3A_147 = arith.mulf %while3A_121#3, %mul3A_146 : vector<16xf32>
      %swap3A_148 = arith.index_cast %add3A_58 : i32 to index
      %swap3A_149 = arith.constant 48 : index
      %swap3A_150 = tpu.vector_load %arg9[%swap3A_148, %swap3A_149] {strides = array<i32>} : memref<128x64xf32, #tpu.memory_space<vmem>>, vector<1x16xf32>,
      %swap3A_151 = vector.shape_cast %swap3A_150 : vector<1x16xf32> to vector<16xf32>
      %swap3A_152 = vector.shape_cast %mul3A_147 : vector<16xf32> to vector<1x16xf32>
      tpu.vector_store %arg9[%swap3A_148, %swap3A_149], %swap3A_152 {strides = array<i32>} : memref<128x64xf32, #tpu.memory_space<vmem>>, vector<1x16xf32>,
      %mul3A_153 = arith.constant 2 : i32
      %mul3A_154 = arith.muli %add3A_41, %mul3A_153 : i32
      %add3A_155 = arith.constant 1 : i32
      %add3A_156 = arith.addi %mul3A_154, %add3A_155 : i32
      %jit3A_157 = arith.constant 8 : i32
      %div3A_158 = arith.divsi %add3A_156, %jit3A_157 : i32
      %sign3A_159 = arith.constant 0 : i32
      %sign3A_160 = arith.cmpi sgt, %add3A_156, %sign3A_159 : i32
      %sign3A_161 = arith.extui %sign3A_160 : i1 to i32
      %sign3A_162 = arith.constant 0 : i32
      %sign3A_163 = arith.cmpi slt, %add3A_156, %sign3A_162 : i32
      %sign3A_164 = arith.extui %sign3A_163 : i1 to i32
      %sign3A_165 = arith.subi %sign3A_161, %sign3A_164 : i32
      %sign3A_166 = arith.constant 0 : i32
      %sign3A_167 = arith.cmpi sgt, %jit3A_157, %sign3A_166 : i32
      %sign3A_168 = arith.extui %sign3A_167 : i1 to i32
      %sign3A_169 = arith.constant 0 : i32
      %sign3A_170 = arith.cmpi slt, %jit3A_157, %sign3A_169 : i32
      %sign3A_171 = arith.extui %sign3A_170 : i1 to i32
      %sign3A_172 = arith.subi %sign3A_168, %sign3A_171 : i32
      %ne3A_173 = arith.cmpi ne, %sign3A_165, %sign3A_172 : i32
      %rem3A_174 = arith.remsi %add3A_156, %jit3A_157 : i32
      %ne3A_175 = arith.constant 0 : i32
      %ne3A_176 = arith.cmpi ne, %rem3A_174, %ne3A_175 : i32
      %and3A_177 = arith.andi %ne3A_173, %ne3A_176 : i1
      %sub3A_178 = arith.constant 1 : i32
      %sub3A_179 = arith.subi %div3A_158, %sub3A_178 : i32
      %select_n3A_180 = arith.select %and3A_177, %sub3A_179, %div3A_158 : i32
      %jit3A_181 = arith.constant 8 : i32
      %eq3A_182 = arith.constant 0 : i32
      %eq3A_183 = arith.cmpi eq, %jit3A_181, %eq3A_182 : i32
      %jit3A_184 = arith.constant 1 : i32
      %select_n3A_185 = arith.select %eq3A_183, %jit3A_184, %jit3A_181 : i32
      %rem3A_186 = arith.remsi %add3A_156, %select_n3A_185 : i32
      %ne3A_187 = arith.constant 0 : i32
      %ne3A_188 = arith.cmpi ne, %rem3A_186, %ne3A_187 : i32
      %lt3A_189 = arith.constant 0 : i32
      %lt3A_190 = arith.cmpi slt, %rem3A_186, %lt3A_189 : i32
      %lt3A_191 = arith.constant 0 : i32
      %lt3A_192 = arith.cmpi slt, %select_n3A_185, %lt3A_191 : i32
      %ne3A_193 = arith.xori %lt3A_190, %lt3A_192 : i1
      %and3A_194 = arith.andi %ne3A_193, %ne3A_188 : i1
      %add3A_195 = arith.addi %rem3A_186, %select_n3A_185 : i32
      %select_n3A_196 = arith.select %and3A_194, %add3A_195, %rem3A_186 : i32
      %mul3A_197 = arith.constant 16 : i32
      %mul3A_198 = arith.muli %select_n3A_196, %mul3A_197 : i32
      %get3A_199 = arith.index_cast %select_n3A_180 : i32 to index
      %get3A_200 = arith.index_cast %mul3A_198 : i32 to index
      %get3A_201 = tpu.vector_load %arg7[%get3A_199, %get3A_200] {strides = array<i32>} : memref<16x128xi32, #tpu.memory_space<vmem>>, vector<1x16xi32>,
      %get3A_202 = vector.shape_cast %get3A_201 : vector<1x16xi32> to vector<16xi32>
      %slice3A_203 = vector.extract_strided_slice %get3A_202 {offsets = [0], sizes = [1], strides = [1]} : vector<16xi32> to vector<1xi32>
      %squeeze3A_204 = vector.extract %slice3A_203[0] : i32 from vector<1xi32>
      %broadcast_in_dim3A_205 = arith.constant 0.000000e+00 : f32
      %broadcast_in_dim3A_206 = vector.broadcast %broadcast_in_dim3A_205 : f32 to vector<16xf32>
      %broadcast_in_dim3A_207 = arith.constant 0.000000e+00 : f32
      %broadcast_in_dim3A_208 = vector.broadcast %broadcast_in_dim3A_207 : f32 to vector<16xf32>
      %broadcast_in_dim3A_209 = arith.constant 0.000000e+00 : f32
      %broadcast_in_dim3A_210 = vector.broadcast %broadcast_in_dim3A_209 : f32 to vector<16xf32>
      %broadcast_in_dim3A_211 = arith.constant 0.000000e+00 : f32
      %broadcast_in_dim3A_212 = vector.broadcast %broadcast_in_dim3A_211 : f32 to vector<16xf32>
      %while3A_213 = arith.constant 0 : i32
      %while3A_214 = arith.subi %squeeze3A_204, %while3A_213 : i32
      %while3A_215 = arith.addi %while3A_213, %while3A_214 : i32
      %while3A_216 = arith.constant 1 : i32
      %while3A_217 = arith.divsi %while3A_214, %while3A_216 : i32
      %while3A_218 = arith.muli %while3A_217, %while3A_216 : i32
      %while3A_219 = arith.addi %while3A_213, %while3A_218 : i32
      %while3A_220 = arith.constant 1 : i32
      %while3A_221:4 = scf.for %while3A_525 = %while3A_213 to %while3A_219 step %while3A_220 iter_args(%while3A_526 = %broadcast_in_dim3A_206, %while3A_527 = %broadcast_in_dim3A_208, %while3A_528 = %broadcast_in_dim3A_210, %while3A_529 = %broadcast_in_dim3A_212) -> (vector<16xf32>, vector<16xf32>, vector<16xf32>, vector<16xf32>)  : i32 {
        %add3A_530 = arith.constant 50 : i32
        %add3A_531 = arith.addi %add3A_530, %while3A_525 : i32
        %get3A_532 = arith.constant 0 : i32
        %get3A_533 = arith.index_cast %get3A_532 : i32 to index
        %get3A_534 = arith.index_cast %add3A_531 : i32 to index
        %get3A_535 = arith.constant 0 : index
        %get3A_536 = tpu.vector_load %arg8[%get3A_533, %get3A_534, %get3A_535] {strides = array<i32>} : memref<2x100x128xf32, #tpu.memory_space<vmem>>, vector<1x1x16xf32>,
        %get3A_537 = vector.shape_cast %get3A_536 : vector<1x1x16xf32> to vector<16xf32>
        %add3A_538 = arith.addf %while3A_526, %get3A_537 : vector<16xf32>
        %add3A_539 = arith.constant 50 : i32
        %add3A_540 = arith.addi %add3A_539, %while3A_525 : i32
        %get3A_541 = arith.constant 0 : i32
        %get3A_542 = arith.index_cast %get3A_541 : i32 to index
        %get3A_543 = arith.index_cast %add3A_540 : i32 to index
        %get3A_544 = arith.constant 16 : index
        %get3A_545 = tpu.vector_load %arg8[%get3A_542, %get3A_543, %get3A_544] {strides = array<i32>} : memref<2x100x128xf32, #tpu.memory_space<vmem>>, vector<1x1x16xf32>,
        %get3A_546 = vector.shape_cast %get3A_545 : vector<1x1x16xf32> to vector<16xf32>
        %add3A_547 = arith.addf %while3A_527, %get3A_546 : vector<16xf32>
        %add3A_548 = arith.constant 50 : i32
        %add3A_549 = arith.addi %add3A_548, %while3A_525 : i32
        %get3A_550 = arith.constant 0 : i32
        %get3A_551 = arith.index_cast %get3A_550 : i32 to index
        %get3A_552 = arith.index_cast %add3A_549 : i32 to index
        %get3A_553 = arith.constant 32 : index
        %get3A_554 = tpu.vector_load %arg8[%get3A_551, %get3A_552, %get3A_553] {strides = array<i32>} : memref<2x100x128xf32, #tpu.memory_space<vmem>>, vector<1x1x16xf32>,
        %get3A_555 = vector.shape_cast %get3A_554 : vector<1x1x16xf32> to vector<16xf32>
        %add3A_556 = arith.addf %while3A_528, %get3A_555 : vector<16xf32>
        %add3A_557 = arith.constant 50 : i32
        %add3A_558 = arith.addi %add3A_557, %while3A_525 : i32
        %get3A_559 = arith.constant 0 : i32
        %get3A_560 = arith.index_cast %get3A_559 : i32 to index
        %get3A_561 = arith.index_cast %add3A_558 : i32 to index
        %get3A_562 = arith.constant 48 : index
        %get3A_563 = tpu.vector_load %arg8[%get3A_560, %get3A_561, %get3A_562] {strides = array<i32>} : memref<2x100x128xf32, #tpu.memory_space<vmem>>, vector<1x1x16xf32>,
        %get3A_564 = vector.shape_cast %get3A_563 : vector<1x1x16xf32> to vector<16xf32>
        %add3A_565 = arith.addf %while3A_529, %get3A_564 : vector<16xf32>
        scf.yield %add3A_538, %add3A_547, %add3A_556, %add3A_565 : vector<16xf32>, vector<16xf32>, vector<16xf32>, vector<16xf32>
      }
      %while3A_222 = arith.constant 1 : i32
      %while3A_223:4 = scf.for %while3A_525 = %while3A_219 to %while3A_215 step %while3A_222 iter_args(%while3A_526 = %while3A_221#0, %while3A_527 = %while3A_221#1, %while3A_528 = %while3A_221#2, %while3A_529 = %while3A_221#3) -> (vector<16xf32>, vector<16xf32>, vector<16xf32>, vector<16xf32>)  : i32 {
        %add3A_530 = arith.constant 50 : i32
        %add3A_531 = arith.addi %add3A_530, %while3A_525 : i32
        %get3A_532 = arith.constant 0 : i32
        %get3A_533 = arith.index_cast %get3A_532 : i32 to index
        %get3A_534 = arith.index_cast %add3A_531 : i32 to index
        %get3A_535 = arith.constant 0 : index
        %get3A_536 = tpu.vector_load %arg8[%get3A_533, %get3A_534, %get3A_535] {strides = array<i32>} : memref<2x100x128xf32, #tpu.memory_space<vmem>>, vector<1x1x16xf32>,
        %get3A_537 = vector.shape_cast %get3A_536 : vector<1x1x16xf32> to vector<16xf32>
        %add3A_538 = arith.addf %while3A_526, %get3A_537 : vector<16xf32>
        %add3A_539 = arith.constant 50 : i32
        %add3A_540 = arith.addi %add3A_539, %while3A_525 : i32
        %get3A_541 = arith.constant 0 : i32
        %get3A_542 = arith.index_cast %get3A_541 : i32 to index
        %get3A_543 = arith.index_cast %add3A_540 : i32 to index
        %get3A_544 = arith.constant 16 : index
        %get3A_545 = tpu.vector_load %arg8[%get3A_542, %get3A_543, %get3A_544] {strides = array<i32>} : memref<2x100x128xf32, #tpu.memory_space<vmem>>, vector<1x1x16xf32>,
        %get3A_546 = vector.shape_cast %get3A_545 : vector<1x1x16xf32> to vector<16xf32>
        %add3A_547 = arith.addf %while3A_527, %get3A_546 : vector<16xf32>
        %add3A_548 = arith.constant 50 : i32
        %add3A_549 = arith.addi %add3A_548, %while3A_525 : i32
        %get3A_550 = arith.constant 0 : i32
        %get3A_551 = arith.index_cast %get3A_550 : i32 to index
        %get3A_552 = arith.index_cast %add3A_549 : i32 to index
        %get3A_553 = arith.constant 32 : index
        %get3A_554 = tpu.vector_load %arg8[%get3A_551, %get3A_552, %get3A_553] {strides = array<i32>} : memref<2x100x128xf32, #tpu.memory_space<vmem>>, vector<1x1x16xf32>,
        %get3A_555 = vector.shape_cast %get3A_554 : vector<1x1x16xf32> to vector<16xf32>
        %add3A_556 = arith.addf %while3A_528, %get3A_555 : vector<16xf32>
        %add3A_557 = arith.constant 50 : i32
        %add3A_558 = arith.addi %add3A_557, %while3A_525 : i32
        %get3A_559 = arith.constant 0 : i32
        %get3A_560 = arith.index_cast %get3A_559 : i32 to index
        %get3A_561 = arith.index_cast %add3A_558 : i32 to index
        %get3A_562 = arith.constant 48 : index
        %get3A_563 = tpu.vector_load %arg8[%get3A_560, %get3A_561, %get3A_562] {strides = array<i32>} : memref<2x100x128xf32, #tpu.memory_space<vmem>>, vector<1x1x16xf32>,
        %get3A_564 = vector.shape_cast %get3A_563 : vector<1x1x16xf32> to vector<16xf32>
        %add3A_565 = arith.addf %while3A_529, %get3A_564 : vector<16xf32>
        scf.yield %add3A_538, %add3A_547, %add3A_556, %add3A_565 : vector<16xf32>, vector<16xf32>, vector<16xf32>, vector<16xf32>
      }
      %while3A_224 = arith.constant 50 : i32
      %while3A_225 = arith.subi %while3A_224, %squeeze3A_204 : i32
      %while3A_226 = arith.addi %squeeze3A_204, %while3A_225 : i32
      %while3A_227 = arith.constant 1 : i32
      %while3A_228 = arith.divsi %while3A_225, %while3A_227 : i32
      %while3A_229 = arith.muli %while3A_228, %while3A_227 : i32
      %while3A_230 = arith.addi %squeeze3A_204, %while3A_229 : i32
      %while3A_231 = arith.constant 1 : i32
      %while3A_232:4 = scf.for %while3A_525 = %squeeze3A_204 to %while3A_230 step %while3A_231 iter_args(%while3A_526 = %while3A_223#0, %while3A_527 = %while3A_223#1, %while3A_528 = %while3A_223#2, %while3A_529 = %while3A_223#3) -> (vector<16xf32>, vector<16xf32>, vector<16xf32>, vector<16xf32>)  : i32 {
        %add3A_530 = arith.constant 50 : i32
        %add3A_531 = arith.addi %add3A_530, %while3A_525 : i32
        %get3A_532 = arith.constant 0 : i32
        %get3A_533 = arith.index_cast %get3A_532 : i32 to index
        %get3A_534 = arith.index_cast %add3A_531 : i32 to index
        %get3A_535 = arith.constant 64 : index
        %get3A_536 = tpu.vector_load %arg8[%get3A_533, %get3A_534, %get3A_535] {strides = array<i32>} : memref<2x100x128xf32, #tpu.memory_space<vmem>>, vector<1x1x16xf32>,
        %get3A_537 = vector.shape_cast %get3A_536 : vector<1x1x16xf32> to vector<16xf32>
        %add3A_538 = arith.addf %while3A_526, %get3A_537 : vector<16xf32>
        %add3A_539 = arith.constant 50 : i32
        %add3A_540 = arith.addi %add3A_539, %while3A_525 : i32
        %get3A_541 = arith.constant 0 : i32
        %get3A_542 = arith.index_cast %get3A_541 : i32 to index
        %get3A_543 = arith.index_cast %add3A_540 : i32 to index
        %get3A_544 = arith.constant 80 : index
        %get3A_545 = tpu.vector_load %arg8[%get3A_542, %get3A_543, %get3A_544] {strides = array<i32>} : memref<2x100x128xf32, #tpu.memory_space<vmem>>, vector<1x1x16xf32>,
        %get3A_546 = vector.shape_cast %get3A_545 : vector<1x1x16xf32> to vector<16xf32>
        %add3A_547 = arith.addf %while3A_527, %get3A_546 : vector<16xf32>
        %add3A_548 = arith.constant 50 : i32
        %add3A_549 = arith.addi %add3A_548, %while3A_525 : i32
        %get3A_550 = arith.constant 0 : i32
        %get3A_551 = arith.index_cast %get3A_550 : i32 to index
        %get3A_552 = arith.index_cast %add3A_549 : i32 to index
        %get3A_553 = arith.constant 96 : index
        %get3A_554 = tpu.vector_load %arg8[%get3A_551, %get3A_552, %get3A_553] {strides = array<i32>} : memref<2x100x128xf32, #tpu.memory_space<vmem>>, vector<1x1x16xf32>,
        %get3A_555 = vector.shape_cast %get3A_554 : vector<1x1x16xf32> to vector<16xf32>
        %add3A_556 = arith.addf %while3A_528, %get3A_555 : vector<16xf32>
        %add3A_557 = arith.constant 50 : i32
        %add3A_558 = arith.addi %add3A_557, %while3A_525 : i32
        %get3A_559 = arith.constant 0 : i32
        %get3A_560 = arith.index_cast %get3A_559 : i32 to index
        %get3A_561 = arith.index_cast %add3A_558 : i32 to index
        %get3A_562 = arith.constant 112 : index
        %get3A_563 = tpu.vector_load %arg8[%get3A_560, %get3A_561, %get3A_562] {strides = array<i32>} : memref<2x100x128xf32, #tpu.memory_space<vmem>>, vector<1x1x16xf32>,
        %get3A_564 = vector.shape_cast %get3A_563 : vector<1x1x16xf32> to vector<16xf32>
        %add3A_565 = arith.addf %while3A_529, %get3A_564 : vector<16xf32>
        scf.yield %add3A_538, %add3A_547, %add3A_556, %add3A_565 : vector<16xf32>, vector<16xf32>, vector<16xf32>, vector<16xf32>
      }
      %while3A_233 = arith.constant 1 : i32
      %while3A_234:4 = scf.for %while3A_525 = %while3A_230 to %while3A_226 step %while3A_233 iter_args(%while3A_526 = %while3A_232#0, %while3A_527 = %while3A_232#1, %while3A_528 = %while3A_232#2, %while3A_529 = %while3A_232#3) -> (vector<16xf32>, vector<16xf32>, vector<16xf32>, vector<16xf32>)  : i32 {
        %add3A_530 = arith.constant 50 : i32
        %add3A_531 = arith.addi %add3A_530, %while3A_525 : i32
        %get3A_532 = arith.constant 0 : i32
        %get3A_533 = arith.index_cast %get3A_532 : i32 to index
        %get3A_534 = arith.index_cast %add3A_531 : i32 to index
        %get3A_535 = arith.constant 64 : index
        %get3A_536 = tpu.vector_load %arg8[%get3A_533, %get3A_534, %get3A_535] {strides = array<i32>} : memref<2x100x128xf32, #tpu.memory_space<vmem>>, vector<1x1x16xf32>,
        %get3A_537 = vector.shape_cast %get3A_536 : vector<1x1x16xf32> to vector<16xf32>
        %add3A_538 = arith.addf %while3A_526, %get3A_537 : vector<16xf32>
        %add3A_539 = arith.constant 50 : i32
        %add3A_540 = arith.addi %add3A_539, %while3A_525 : i32
        %get3A_541 = arith.constant 0 : i32
        %get3A_542 = arith.index_cast %get3A_541 : i32 to index
        %get3A_543 = arith.index_cast %add3A_540 : i32 to index
        %get3A_544 = arith.constant 80 : index
        %get3A_545 = tpu.vector_load %arg8[%get3A_542, %get3A_543, %get3A_544] {strides = array<i32>} : memref<2x100x128xf32, #tpu.memory_space<vmem>>, vector<1x1x16xf32>,
        %get3A_546 = vector.shape_cast %get3A_545 : vector<1x1x16xf32> to vector<16xf32>
        %add3A_547 = arith.addf %while3A_527, %get3A_546 : vector<16xf32>
        %add3A_548 = arith.constant 50 : i32
        %add3A_549 = arith.addi %add3A_548, %while3A_525 : i32
        %get3A_550 = arith.constant 0 : i32
        %get3A_551 = arith.index_cast %get3A_550 : i32 to index
        %get3A_552 = arith.index_cast %add3A_549 : i32 to index
        %get3A_553 = arith.constant 96 : index
        %get3A_554 = tpu.vector_load %arg8[%get3A_551, %get3A_552, %get3A_553] {strides = array<i32>} : memref<2x100x128xf32, #tpu.memory_space<vmem>>, vector<1x1x16xf32>,
        %get3A_555 = vector.shape_cast %get3A_554 : vector<1x1x16xf32> to vector<16xf32>
        %add3A_556 = arith.addf %while3A_528, %get3A_555 : vector<16xf32>
        %add3A_557 = arith.constant 50 : i32
        %add3A_558 = arith.addi %add3A_557, %while3A_525 : i32
        %get3A_559 = arith.constant 0 : i32
        %get3A_560 = arith.index_cast %get3A_559 : i32 to index
        %get3A_561 = arith.index_cast %add3A_558 : i32 to index
        %get3A_562 = arith.constant 112 : index
        %get3A_563 = tpu.vector_load %arg8[%get3A_560, %get3A_561, %get3A_562] {strides = array<i32>} : memref<2x100x128xf32, #tpu.memory_space<vmem>>, vector<1x1x16xf32>,
        %get3A_564 = vector.shape_cast %get3A_563 : vector<1x1x16xf32> to vector<16xf32>
        %add3A_565 = arith.addf %while3A_529, %get3A_564 : vector<16xf32>
        scf.yield %add3A_538, %add3A_547, %add3A_556, %add3A_565 : vector<16xf32>, vector<16xf32>, vector<16xf32>, vector<16xf32>
      }
      %mul3A_235 = arith.constant 2.000000e-02 : f32
      %mul3A_236 = vector.broadcast %mul3A_235 : f32 to vector<16xf32>
      %mul3A_237 = arith.mulf %while3A_234#0, %mul3A_236 : vector<16xf32>
      %swap3A_238 = arith.index_cast %add3A_156 : i32 to index
      %swap3A_239 = arith.constant 0 : index
      %swap3A_240 = tpu.vector_load %arg9[%swap3A_238, %swap3A_239] {strides = array<i32>} : memref<128x64xf32, #tpu.memory_space<vmem>>, vector<1x16xf32>,
      %swap3A_241 = vector.shape_cast %swap3A_240 : vector<1x16xf32> to vector<16xf32>
      %swap3A_242 = vector.shape_cast %mul3A_237 : vector<16xf32> to vector<1x16xf32>
      tpu.vector_store %arg9[%swap3A_238, %swap3A_239], %swap3A_242 {strides = array<i32>} : memref<128x64xf32, #tpu.memory_space<vmem>>, vector<1x16xf32>,
      %mul3A_243 = arith.constant 2.000000e-02 : f32
      %mul3A_244 = vector.broadcast %mul3A_243 : f32 to vector<16xf32>
      %mul3A_245 = arith.mulf %while3A_234#1, %mul3A_244 : vector<16xf32>
      %swap3A_246 = arith.index_cast %add3A_156 : i32 to index
      %swap3A_247 = arith.constant 16 : index
      %swap3A_248 = tpu.vector_load %arg9[%swap3A_246, %swap3A_247] {strides = array<i32>} : memref<128x64xf32, #tpu.memory_space<vmem>>, vector<1x16xf32>,
      %swap3A_249 = vector.shape_cast %swap3A_248 : vector<1x16xf32> to vector<16xf32>
      %swap3A_250 = vector.shape_cast %mul3A_245 : vector<16xf32> to vector<1x16xf32>
      tpu.vector_store %arg9[%swap3A_246, %swap3A_247], %swap3A_250 {strides = array<i32>} : memref<128x64xf32, #tpu.memory_space<vmem>>, vector<1x16xf32>,
      %mul3A_251 = arith.constant 2.000000e-02 : f32
      %mul3A_252 = vector.broadcast %mul3A_251 : f32 to vector<16xf32>
      %mul3A_253 = arith.mulf %while3A_234#2, %mul3A_252 : vector<16xf32>
      %swap3A_254 = arith.index_cast %add3A_156 : i32 to index
      %swap3A_255 = arith.constant 32 : index
      %swap3A_256 = tpu.vector_load %arg9[%swap3A_254, %swap3A_255] {strides = array<i32>} : memref<128x64xf32, #tpu.memory_space<vmem>>, vector<1x16xf32>,
      %swap3A_257 = vector.shape_cast %swap3A_256 : vector<1x16xf32> to vector<16xf32>
      %swap3A_258 = vector.shape_cast %mul3A_253 : vector<16xf32> to vector<1x16xf32>
      tpu.vector_store %arg9[%swap3A_254, %swap3A_255], %swap3A_258 {strides = array<i32>} : memref<128x64xf32, #tpu.memory_space<vmem>>, vector<1x16xf32>,
      %mul3A_259 = arith.constant 2.000000e-02 : f32
      %mul3A_260 = vector.broadcast %mul3A_259 : f32 to vector<16xf32>
      %mul3A_261 = arith.mulf %while3A_234#3, %mul3A_260 : vector<16xf32>
      %swap3A_262 = arith.index_cast %add3A_156 : i32 to index
      %swap3A_263 = arith.constant 48 : index
      %swap3A_264 = tpu.vector_load %arg9[%swap3A_262, %swap3A_263] {strides = array<i32>} : memref<128x64xf32, #tpu.memory_space<vmem>>, vector<1x16xf32>,
      %swap3A_265 = vector.shape_cast %swap3A_264 : vector<1x16xf32> to vector<16xf32>
      %swap3A_266 = vector.shape_cast %mul3A_261 : vector<16xf32> to vector<1x16xf32>
      tpu.vector_store %arg9[%swap3A_262, %swap3A_263], %swap3A_266 {strides = array<i32>} : memref<128x64xf32, #tpu.memory_space<vmem>>, vector<1x16xf32>,
      %add3A_267 = arith.constant 2 : i32
      %add3A_268 = arith.addi %add3A_41, %add3A_267 : i32
      %lt3A_269 = arith.constant 64 : i32
      %lt3A_270 = arith.cmpi slt, %add3A_268, %lt3A_269 : i32
      %convert_element_type3A = arith.extui %lt3A_270 : i1 to i32
      %cond3A = arith.constant 0 : i32
      %cond3A_271 = arith.cmpi ne, %convert_element_type3A, %cond3A : i32
      scf.if %cond3A_271 {
        %add3A_525 = arith.constant 2 : i32
        %add3A_526 = arith.addi %add3A_41, %add3A_525 : i32
        %dma_start3A_527 = arith.constant 0 : i32
        %dma_start3A_528 = arith.constant 0 : i32
        %dma_start3A_529 = arith.constant 0 : i32
        %dma_start3A_530 = arith.constant 0 : i32
        %dma_start3A_531 = tpu.memref_slice %arg8[%dma_start3A_527, %dma_start3A_529, %dma_start3A_530] : memref<2x100x128xf32, #tpu.memory_space<vmem>> -> memref<1x100x128xf32, #tpu.memory_space<vmem>>
        %dma_start3A_532 = tpu.memref_squeeze %dma_start3A_531 : memref<1x100x128xf32, #tpu.memory_space<vmem>> -> memref<100x128xf32, #tpu.memory_space<vmem>>
        %dma_start3A_533 = arith.constant 0 : i32
        %dma_start3A_534 = tpu.memref_slice %arg6[%add3A_526, %dma_start3A_533] : memref<64x100xi32, #tpu.memory_space<vmem>> -> memref<1x100xi32, #tpu.memory_space<vmem>>
        %dma_start3A_535 = tpu.memref_squeeze %dma_start3A_534 : memref<1x100xi32, #tpu.memory_space<vmem>> -> memref<100xi32, #tpu.memory_space<vmem>>
        %dma_start3A_536 = arith.constant 0 : i32
        %dma_start3A_537 = arith.constant 0 : i32
        %dma_start3A_538 = tpu.memref_slice %arg2[%dma_start3A_536, %dma_start3A_537] : memref<500736x128xf32, #tpu.memory_space<hbm>> -> memref<500736x128xf32, #tpu.memory_space<hbm>>
        %dma_start3A_539 = tpu.memref_slice %arg10[%dma_start3A_528] : memref<2x!tpu.dma_semaphore, #tpu.memory_space<semaphore_mem>> -> memref<1x!tpu.dma_semaphore, #tpu.memory_space<semaphore_mem>>
        %dma_start3A_540 = tpu.memref_squeeze %dma_start3A_539 : memref<1x!tpu.dma_semaphore, #tpu.memory_space<semaphore_mem>> -> memref<!tpu.dma_semaphore, #tpu.memory_space<semaphore_mem>>
        tpu.enqueue_indirect_dma source(%dma_start3A_538 : memref<500736x128xf32, #tpu.memory_space<hbm>>) target(%dma_start3A_532 : memref<100x128xf32, #tpu.memory_space<vmem>>) offsets(%dma_start3A_535 : memref<100xi32, #tpu.memory_space<vmem>>) semaphore(%dma_start3A_540 : memref<!tpu.dma_semaphore, #tpu.memory_space<semaphore_mem>>)
      } else {
      }
      %mul3A_272 = arith.constant 2 : i32
      %mul3A_273 = arith.muli %scan3A_37, %mul3A_272 : i32
      %add3A_274 = arith.constant 1 : i32
      %add3A_275 = arith.addi %mul3A_273, %add3A_274 : i32
      %dma_wait3A_276 = arith.constant 1 : i32
      %dma_wait3A_277 = arith.constant 1 : i32
      %dma_wait3A_278 = arith.constant 0 : i32
      %dma_wait3A_279 = arith.constant 0 : i32
      %dma_wait3A_280 = tpu.memref_slice %arg8[%dma_wait3A_276, %dma_wait3A_278, %dma_wait3A_279] : memref<2x100x128xf32, #tpu.memory_space<vmem>> -> memref<1x100x128xf32, #tpu.memory_space<vmem>>
      %dma_wait3A_281 = tpu.memref_squeeze %dma_wait3A_280 : memref<1x100x128xf32, #tpu.memory_space<vmem>> -> memref<100x128xf32, #tpu.memory_space<vmem>>
      %dma_wait3A_282 = arith.constant 0 : i32
      %dma_wait3A_283 = tpu.memref_slice %arg6[%add3A_275, %dma_wait3A_282] : memref<64x100xi32, #tpu.memory_space<vmem>> -> memref<1x100xi32, #tpu.memory_space<vmem>>
      %dma_wait3A_284 = tpu.memref_squeeze %dma_wait3A_283 : memref<1x100xi32, #tpu.memory_space<vmem>> -> memref<100xi32, #tpu.memory_space<vmem>>
      %dma_wait3A_285 = arith.constant 0 : i32
      %dma_wait3A_286 = arith.constant 0 : i32
      %dma_wait3A_287 = tpu.memref_slice %arg2[%dma_wait3A_285, %dma_wait3A_286] : memref<500736x128xf32, #tpu.memory_space<hbm>> -> memref<500736x128xf32, #tpu.memory_space<hbm>>
      %dma_wait3A_288 = tpu.memref_slice %arg10[%dma_wait3A_277] : memref<2x!tpu.dma_semaphore, #tpu.memory_space<semaphore_mem>> -> memref<1x!tpu.dma_semaphore, #tpu.memory_space<semaphore_mem>>
      %dma_wait3A_289 = tpu.memref_squeeze %dma_wait3A_288 : memref<1x!tpu.dma_semaphore, #tpu.memory_space<semaphore_mem>> -> memref<!tpu.dma_semaphore, #tpu.memory_space<semaphore_mem>>
      tpu.wait_indirect_dma semaphore(%dma_wait3A_289 : memref<!tpu.dma_semaphore, #tpu.memory_space<semaphore_mem>>) src(%dma_wait3A_287 : memref<500736x128xf32, #tpu.memory_space<hbm>>) dst(%dma_wait3A_281 : memref<100x128xf32, #tpu.memory_space<vmem>>)
      %mul3A_290 = arith.constant 2 : i32
      %mul3A_291 = arith.muli %add3A_275, %mul3A_290 : i32
      %add3A_292 = arith.constant 0 : i32
      %add3A_293 = arith.addi %mul3A_291, %add3A_292 : i32
      %jit3A_294 = arith.constant 8 : i32
      %div3A_295 = arith.divsi %add3A_293, %jit3A_294 : i32
      %sign3A_296 = arith.constant 0 : i32
      %sign3A_297 = arith.cmpi sgt, %add3A_293, %sign3A_296 : i32
      %sign3A_298 = arith.extui %sign3A_297 : i1 to i32
      %sign3A_299 = arith.constant 0 : i32
      %sign3A_300 = arith.cmpi slt, %add3A_293, %sign3A_299 : i32
      %sign3A_301 = arith.extui %sign3A_300 : i1 to i32
      %sign3A_302 = arith.subi %sign3A_298, %sign3A_301 : i32
      %sign3A_303 = arith.constant 0 : i32
      %sign3A_304 = arith.cmpi sgt, %jit3A_294, %sign3A_303 : i32
      %sign3A_305 = arith.extui %sign3A_304 : i1 to i32
      %sign3A_306 = arith.constant 0 : i32
      %sign3A_307 = arith.cmpi slt, %jit3A_294, %sign3A_306 : i32
      %sign3A_308 = arith.extui %sign3A_307 : i1 to i32
      %sign3A_309 = arith.subi %sign3A_305, %sign3A_308 : i32
      %ne3A_310 = arith.cmpi ne, %sign3A_302, %sign3A_309 : i32
      %rem3A_311 = arith.remsi %add3A_293, %jit3A_294 : i32
      %ne3A_312 = arith.constant 0 : i32
      %ne3A_313 = arith.cmpi ne, %rem3A_311, %ne3A_312 : i32
      %and3A_314 = arith.andi %ne3A_310, %ne3A_313 : i1
      %sub3A_315 = arith.constant 1 : i32
      %sub3A_316 = arith.subi %div3A_295, %sub3A_315 : i32
      %select_n3A_317 = arith.select %and3A_314, %sub3A_316, %div3A_295 : i32
      %jit3A_318 = arith.constant 8 : i32
      %eq3A_319 = arith.constant 0 : i32
      %eq3A_320 = arith.cmpi eq, %jit3A_318, %eq3A_319 : i32
      %jit3A_321 = arith.constant 1 : i32
      %select_n3A_322 = arith.select %eq3A_320, %jit3A_321, %jit3A_318 : i32
      %rem3A_323 = arith.remsi %add3A_293, %select_n3A_322 : i32
      %ne3A_324 = arith.constant 0 : i32
      %ne3A_325 = arith.cmpi ne, %rem3A_323, %ne3A_324 : i32
      %lt3A_326 = arith.constant 0 : i32
      %lt3A_327 = arith.cmpi slt, %rem3A_323, %lt3A_326 : i32
      %lt3A_328 = arith.constant 0 : i32
      %lt3A_329 = arith.cmpi slt, %select_n3A_322, %lt3A_328 : i32
      %ne3A_330 = arith.xori %lt3A_327, %lt3A_329 : i1
      %and3A_331 = arith.andi %ne3A_330, %ne3A_325 : i1
      %add3A_332 = arith.addi %rem3A_323, %select_n3A_322 : i32
      %select_n3A_333 = arith.select %and3A_331, %add3A_332, %rem3A_323 : i32
      %mul3A_334 = arith.constant 16 : i32
      %mul3A_335 = arith.muli %select_n3A_333, %mul3A_334 : i32
      %get3A_336 = arith.index_cast %select_n3A_317 : i32 to index
      %get3A_337 = arith.index_cast %mul3A_335 : i32 to index
      %get3A_338 = tpu.vector_load %arg7[%get3A_336, %get3A_337] {strides = array<i32>} : memref<16x128xi32, #tpu.memory_space<vmem>>, vector<1x16xi32>,
      %get3A_339 = vector.shape_cast %get3A_338 : vector<1x16xi32> to vector<16xi32>
      %slice3A_340 = vector.extract_strided_slice %get3A_339 {offsets = [0], sizes = [1], strides = [1]} : vector<16xi32> to vector<1xi32>
      %squeeze3A_341 = vector.extract %slice3A_340[0] : i32 from vector<1xi32>
      %broadcast_in_dim3A_342 = arith.constant 0.000000e+00 : f32
      %broadcast_in_dim3A_343 = vector.broadcast %broadcast_in_dim3A_342 : f32 to vector<16xf32>
      %broadcast_in_dim3A_344 = arith.constant 0.000000e+00 : f32
      %broadcast_in_dim3A_345 = vector.broadcast %broadcast_in_dim3A_344 : f32 to vector<16xf32>
      %broadcast_in_dim3A_346 = arith.constant 0.000000e+00 : f32
      %broadcast_in_dim3A_347 = vector.broadcast %broadcast_in_dim3A_346 : f32 to vector<16xf32>
      %broadcast_in_dim3A_348 = arith.constant 0.000000e+00 : f32
      %broadcast_in_dim3A_349 = vector.broadcast %broadcast_in_dim3A_348 : f32 to vector<16xf32>
      %while3A_350 = arith.constant 0 : i32
      %while3A_351 = arith.subi %squeeze3A_341, %while3A_350 : i32
      %while3A_352 = arith.addi %while3A_350, %while3A_351 : i32
      %while3A_353 = arith.constant 1 : i32
      %while3A_354 = arith.divsi %while3A_351, %while3A_353 : i32
      %while3A_355 = arith.muli %while3A_354, %while3A_353 : i32
      %while3A_356 = arith.addi %while3A_350, %while3A_355 : i32
      %while3A_357 = arith.constant 1 : i32
      %while3A_358:4 = scf.for %while3A_525 = %while3A_350 to %while3A_356 step %while3A_357 iter_args(%while3A_526 = %broadcast_in_dim3A_343, %while3A_527 = %broadcast_in_dim3A_345, %while3A_528 = %broadcast_in_dim3A_347, %while3A_529 = %broadcast_in_dim3A_349) -> (vector<16xf32>, vector<16xf32>, vector<16xf32>, vector<16xf32>)  : i32 {
        %add3A_530 = arith.constant 0 : i32
        %add3A_531 = arith.addi %add3A_530, %while3A_525 : i32
        %get3A_532 = arith.constant 1 : i32
        %get3A_533 = arith.index_cast %get3A_532 : i32 to index
        %get3A_534 = arith.index_cast %add3A_531 : i32 to index
        %get3A_535 = arith.constant 0 : index
        %get3A_536 = tpu.vector_load %arg8[%get3A_533, %get3A_534, %get3A_535] {strides = array<i32>} : memref<2x100x128xf32, #tpu.memory_space<vmem>>, vector<1x1x16xf32>,
        %get3A_537 = vector.shape_cast %get3A_536 : vector<1x1x16xf32> to vector<16xf32>
        %add3A_538 = arith.addf %while3A_526, %get3A_537 : vector<16xf32>
        %add3A_539 = arith.constant 0 : i32
        %add3A_540 = arith.addi %add3A_539, %while3A_525 : i32
        %get3A_541 = arith.constant 1 : i32
        %get3A_542 = arith.index_cast %get3A_541 : i32 to index
        %get3A_543 = arith.index_cast %add3A_540 : i32 to index
        %get3A_544 = arith.constant 16 : index
        %get3A_545 = tpu.vector_load %arg8[%get3A_542, %get3A_543, %get3A_544] {strides = array<i32>} : memref<2x100x128xf32, #tpu.memory_space<vmem>>, vector<1x1x16xf32>,
        %get3A_546 = vector.shape_cast %get3A_545 : vector<1x1x16xf32> to vector<16xf32>
        %add3A_547 = arith.addf %while3A_527, %get3A_546 : vector<16xf32>
        %add3A_548 = arith.constant 0 : i32
        %add3A_549 = arith.addi %add3A_548, %while3A_525 : i32
        %get3A_550 = arith.constant 1 : i32
        %get3A_551 = arith.index_cast %get3A_550 : i32 to index
        %get3A_552 = arith.index_cast %add3A_549 : i32 to index
        %get3A_553 = arith.constant 32 : index
        %get3A_554 = tpu.vector_load %arg8[%get3A_551, %get3A_552, %get3A_553] {strides = array<i32>} : memref<2x100x128xf32, #tpu.memory_space<vmem>>, vector<1x1x16xf32>,
        %get3A_555 = vector.shape_cast %get3A_554 : vector<1x1x16xf32> to vector<16xf32>
        %add3A_556 = arith.addf %while3A_528, %get3A_555 : vector<16xf32>
        %add3A_557 = arith.constant 0 : i32
        %add3A_558 = arith.addi %add3A_557, %while3A_525 : i32
        %get3A_559 = arith.constant 1 : i32
        %get3A_560 = arith.index_cast %get3A_559 : i32 to index
        %get3A_561 = arith.index_cast %add3A_558 : i32 to index
        %get3A_562 = arith.constant 48 : index
        %get3A_563 = tpu.vector_load %arg8[%get3A_560, %get3A_561, %get3A_562] {strides = array<i32>} : memref<2x100x128xf32, #tpu.memory_space<vmem>>, vector<1x1x16xf32>,
        %get3A_564 = vector.shape_cast %get3A_563 : vector<1x1x16xf32> to vector<16xf32>
        %add3A_565 = arith.addf %while3A_529, %get3A_564 : vector<16xf32>
        scf.yield %add3A_538, %add3A_547, %add3A_556, %add3A_565 : vector<16xf32>, vector<16xf32>, vector<16xf32>, vector<16xf32>
      }
      %while3A_359 = arith.constant 1 : i32
      %while3A_360:4 = scf.for %while3A_525 = %while3A_356 to %while3A_352 step %while3A_359 iter_args(%while3A_526 = %while3A_358#0, %while3A_527 = %while3A_358#1, %while3A_528 = %while3A_358#2, %while3A_529 = %while3A_358#3) -> (vector<16xf32>, vector<16xf32>, vector<16xf32>, vector<16xf32>)  : i32 {
        %add3A_530 = arith.constant 0 : i32
        %add3A_531 = arith.addi %add3A_530, %while3A_525 : i32
        %get3A_532 = arith.constant 1 : i32
        %get3A_533 = arith.index_cast %get3A_532 : i32 to index
        %get3A_534 = arith.index_cast %add3A_531 : i32 to index
        %get3A_535 = arith.constant 0 : index
        %get3A_536 = tpu.vector_load %arg8[%get3A_533, %get3A_534, %get3A_535] {strides = array<i32>} : memref<2x100x128xf32, #tpu.memory_space<vmem>>, vector<1x1x16xf32>,
        %get3A_537 = vector.shape_cast %get3A_536 : vector<1x1x16xf32> to vector<16xf32>
        %add3A_538 = arith.addf %while3A_526, %get3A_537 : vector<16xf32>
        %add3A_539 = arith.constant 0 : i32
        %add3A_540 = arith.addi %add3A_539, %while3A_525 : i32
        %get3A_541 = arith.constant 1 : i32
        %get3A_542 = arith.index_cast %get3A_541 : i32 to index
        %get3A_543 = arith.index_cast %add3A_540 : i32 to index
        %get3A_544 = arith.constant 16 : index
        %get3A_545 = tpu.vector_load %arg8[%get3A_542, %get3A_543, %get3A_544] {strides = array<i32>} : memref<2x100x128xf32, #tpu.memory_space<vmem>>, vector<1x1x16xf32>,
        %get3A_546 = vector.shape_cast %get3A_545 : vector<1x1x16xf32> to vector<16xf32>
        %add3A_547 = arith.addf %while3A_527, %get3A_546 : vector<16xf32>
        %add3A_548 = arith.constant 0 : i32
        %add3A_549 = arith.addi %add3A_548, %while3A_525 : i32
        %get3A_550 = arith.constant 1 : i32
        %get3A_551 = arith.index_cast %get3A_550 : i32 to index
        %get3A_552 = arith.index_cast %add3A_549 : i32 to index
        %get3A_553 = arith.constant 32 : index
        %get3A_554 = tpu.vector_load %arg8[%get3A_551, %get3A_552, %get3A_553] {strides = array<i32>} : memref<2x100x128xf32, #tpu.memory_space<vmem>>, vector<1x1x16xf32>,
        %get3A_555 = vector.shape_cast %get3A_554 : vector<1x1x16xf32> to vector<16xf32>
        %add3A_556 = arith.addf %while3A_528, %get3A_555 : vector<16xf32>
        %add3A_557 = arith.constant 0 : i32
        %add3A_558 = arith.addi %add3A_557, %while3A_525 : i32
        %get3A_559 = arith.constant 1 : i32
        %get3A_560 = arith.index_cast %get3A_559 : i32 to index
        %get3A_561 = arith.index_cast %add3A_558 : i32 to index
        %get3A_562 = arith.constant 48 : index
        %get3A_563 = tpu.vector_load %arg8[%get3A_560, %get3A_561, %get3A_562] {strides = array<i32>} : memref<2x100x128xf32, #tpu.memory_space<vmem>>, vector<1x1x16xf32>,
        %get3A_564 = vector.shape_cast %get3A_563 : vector<1x1x16xf32> to vector<16xf32>
        %add3A_565 = arith.addf %while3A_529, %get3A_564 : vector<16xf32>
        scf.yield %add3A_538, %add3A_547, %add3A_556, %add3A_565 : vector<16xf32>, vector<16xf32>, vector<16xf32>, vector<16xf32>
      }
      %while3A_361 = arith.constant 50 : i32
      %while3A_362 = arith.subi %while3A_361, %squeeze3A_341 : i32
      %while3A_363 = arith.addi %squeeze3A_341, %while3A_362 : i32
      %while3A_364 = arith.constant 1 : i32
      %while3A_365 = arith.divsi %while3A_362, %while3A_364 : i32
      %while3A_366 = arith.muli %while3A_365, %while3A_364 : i32
      %while3A_367 = arith.addi %squeeze3A_341, %while3A_366 : i32
      %while3A_368 = arith.constant 1 : i32
      %while3A_369:4 = scf.for %while3A_525 = %squeeze3A_341 to %while3A_367 step %while3A_368 iter_args(%while3A_526 = %while3A_360#0, %while3A_527 = %while3A_360#1, %while3A_528 = %while3A_360#2, %while3A_529 = %while3A_360#3) -> (vector<16xf32>, vector<16xf32>, vector<16xf32>, vector<16xf32>)  : i32 {
        %add3A_530 = arith.constant 0 : i32
        %add3A_531 = arith.addi %add3A_530, %while3A_525 : i32
        %get3A_532 = arith.constant 1 : i32
        %get3A_533 = arith.index_cast %get3A_532 : i32 to index
        %get3A_534 = arith.index_cast %add3A_531 : i32 to index
        %get3A_535 = arith.constant 64 : index
        %get3A_536 = tpu.vector_load %arg8[%get3A_533, %get3A_534, %get3A_535] {strides = array<i32>} : memref<2x100x128xf32, #tpu.memory_space<vmem>>, vector<1x1x16xf32>,
        %get3A_537 = vector.shape_cast %get3A_536 : vector<1x1x16xf32> to vector<16xf32>
        %add3A_538 = arith.addf %while3A_526, %get3A_537 : vector<16xf32>
        %add3A_539 = arith.constant 0 : i32
        %add3A_540 = arith.addi %add3A_539, %while3A_525 : i32
        %get3A_541 = arith.constant 1 : i32
        %get3A_542 = arith.index_cast %get3A_541 : i32 to index
        %get3A_543 = arith.index_cast %add3A_540 : i32 to index
        %get3A_544 = arith.constant 80 : index
        %get3A_545 = tpu.vector_load %arg8[%get3A_542, %get3A_543, %get3A_544] {strides = array<i32>} : memref<2x100x128xf32, #tpu.memory_space<vmem>>, vector<1x1x16xf32>,
        %get3A_546 = vector.shape_cast %get3A_545 : vector<1x1x16xf32> to vector<16xf32>
        %add3A_547 = arith.addf %while3A_527, %get3A_546 : vector<16xf32>
        %add3A_548 = arith.constant 0 : i32
        %add3A_549 = arith.addi %add3A_548, %while3A_525 : i32
        %get3A_550 = arith.constant 1 : i32
        %get3A_551 = arith.index_cast %get3A_550 : i32 to index
        %get3A_552 = arith.index_cast %add3A_549 : i32 to index
        %get3A_553 = arith.constant 96 : index
        %get3A_554 = tpu.vector_load %arg8[%get3A_551, %get3A_552, %get3A_553] {strides = array<i32>} : memref<2x100x128xf32, #tpu.memory_space<vmem>>, vector<1x1x16xf32>,
        %get3A_555 = vector.shape_cast %get3A_554 : vector<1x1x16xf32> to vector<16xf32>
        %add3A_556 = arith.addf %while3A_528, %get3A_555 : vector<16xf32>
        %add3A_557 = arith.constant 0 : i32
        %add3A_558 = arith.addi %add3A_557, %while3A_525 : i32
        %get3A_559 = arith.constant 1 : i32
        %get3A_560 = arith.index_cast %get3A_559 : i32 to index
        %get3A_561 = arith.index_cast %add3A_558 : i32 to index
        %get3A_562 = arith.constant 112 : index
        %get3A_563 = tpu.vector_load %arg8[%get3A_560, %get3A_561, %get3A_562] {strides = array<i32>} : memref<2x100x128xf32, #tpu.memory_space<vmem>>, vector<1x1x16xf32>,
        %get3A_564 = vector.shape_cast %get3A_563 : vector<1x1x16xf32> to vector<16xf32>
        %add3A_565 = arith.addf %while3A_529, %get3A_564 : vector<16xf32>
        scf.yield %add3A_538, %add3A_547, %add3A_556, %add3A_565 : vector<16xf32>, vector<16xf32>, vector<16xf32>, vector<16xf32>
      }
      %while3A_370 = arith.constant 1 : i32
      %while3A_371:4 = scf.for %while3A_525 = %while3A_367 to %while3A_363 step %while3A_370 iter_args(%while3A_526 = %while3A_369#0, %while3A_527 = %while3A_369#1, %while3A_528 = %while3A_369#2, %while3A_529 = %while3A_369#3) -> (vector<16xf32>, vector<16xf32>, vector<16xf32>, vector<16xf32>)  : i32 {
        %add3A_530 = arith.constant 0 : i32
        %add3A_531 = arith.addi %add3A_530, %while3A_525 : i32
        %get3A_532 = arith.constant 1 : i32
        %get3A_533 = arith.index_cast %get3A_532 : i32 to index
        %get3A_534 = arith.index_cast %add3A_531 : i32 to index
        %get3A_535 = arith.constant 64 : index
        %get3A_536 = tpu.vector_load %arg8[%get3A_533, %get3A_534, %get3A_535] {strides = array<i32>} : memref<2x100x128xf32, #tpu.memory_space<vmem>>, vector<1x1x16xf32>,
        %get3A_537 = vector.shape_cast %get3A_536 : vector<1x1x16xf32> to vector<16xf32>
        %add3A_538 = arith.addf %while3A_526, %get3A_537 : vector<16xf32>
        %add3A_539 = arith.constant 0 : i32
        %add3A_540 = arith.addi %add3A_539, %while3A_525 : i32
        %get3A_541 = arith.constant 1 : i32
        %get3A_542 = arith.index_cast %get3A_541 : i32 to index
        %get3A_543 = arith.index_cast %add3A_540 : i32 to index
        %get3A_544 = arith.constant 80 : index
        %get3A_545 = tpu.vector_load %arg8[%get3A_542, %get3A_543, %get3A_544] {strides = array<i32>} : memref<2x100x128xf32, #tpu.memory_space<vmem>>, vector<1x1x16xf32>,
        %get3A_546 = vector.shape_cast %get3A_545 : vector<1x1x16xf32> to vector<16xf32>
        %add3A_547 = arith.addf %while3A_527, %get3A_546 : vector<16xf32>
        %add3A_548 = arith.constant 0 : i32
        %add3A_549 = arith.addi %add3A_548, %while3A_525 : i32
        %get3A_550 = arith.constant 1 : i32
        %get3A_551 = arith.index_cast %get3A_550 : i32 to index
        %get3A_552 = arith.index_cast %add3A_549 : i32 to index
        %get3A_553 = arith.constant 96 : index
        %get3A_554 = tpu.vector_load %arg8[%get3A_551, %get3A_552, %get3A_553] {strides = array<i32>} : memref<2x100x128xf32, #tpu.memory_space<vmem>>, vector<1x1x16xf32>,
        %get3A_555 = vector.shape_cast %get3A_554 : vector<1x1x16xf32> to vector<16xf32>
        %add3A_556 = arith.addf %while3A_528, %get3A_555 : vector<16xf32>
        %add3A_557 = arith.constant 0 : i32
        %add3A_558 = arith.addi %add3A_557, %while3A_525 : i32
        %get3A_559 = arith.constant 1 : i32
        %get3A_560 = arith.index_cast %get3A_559 : i32 to index
        %get3A_561 = arith.index_cast %add3A_558 : i32 to index
        %get3A_562 = arith.constant 112 : index
        %get3A_563 = tpu.vector_load %arg8[%get3A_560, %get3A_561, %get3A_562] {strides = array<i32>} : memref<2x100x128xf32, #tpu.memory_space<vmem>>, vector<1x1x16xf32>,
        %get3A_564 = vector.shape_cast %get3A_563 : vector<1x1x16xf32> to vector<16xf32>
        %add3A_565 = arith.addf %while3A_529, %get3A_564 : vector<16xf32>
        scf.yield %add3A_538, %add3A_547, %add3A_556, %add3A_565 : vector<16xf32>, vector<16xf32>, vector<16xf32>, vector<16xf32>
      }
      %mul3A_372 = arith.constant 2.000000e-02 : f32
      %mul3A_373 = vector.broadcast %mul3A_372 : f32 to vector<16xf32>
      %mul3A_374 = arith.mulf %while3A_371#0, %mul3A_373 : vector<16xf32>
      %swap3A_375 = arith.index_cast %add3A_293 : i32 to index
      %swap3A_376 = arith.constant 0 : index
      %swap3A_377 = tpu.vector_load %arg9[%swap3A_375, %swap3A_376] {strides = array<i32>} : memref<128x64xf32, #tpu.memory_space<vmem>>, vector<1x16xf32>,
      %swap3A_378 = vector.shape_cast %swap3A_377 : vector<1x16xf32> to vector<16xf32>
      %swap3A_379 = vector.shape_cast %mul3A_374 : vector<16xf32> to vector<1x16xf32>
      tpu.vector_store %arg9[%swap3A_375, %swap3A_376], %swap3A_379 {strides = array<i32>} : memref<128x64xf32, #tpu.memory_space<vmem>>, vector<1x16xf32>,
      %mul3A_380 = arith.constant 2.000000e-02 : f32
      %mul3A_381 = vector.broadcast %mul3A_380 : f32 to vector<16xf32>
      %mul3A_382 = arith.mulf %while3A_371#1, %mul3A_381 : vector<16xf32>
      %swap3A_383 = arith.index_cast %add3A_293 : i32 to index
      %swap3A_384 = arith.constant 16 : index
      %swap3A_385 = tpu.vector_load %arg9[%swap3A_383, %swap3A_384] {strides = array<i32>} : memref<128x64xf32, #tpu.memory_space<vmem>>, vector<1x16xf32>,
      %swap3A_386 = vector.shape_cast %swap3A_385 : vector<1x16xf32> to vector<16xf32>
      %swap3A_387 = vector.shape_cast %mul3A_382 : vector<16xf32> to vector<1x16xf32>
      tpu.vector_store %arg9[%swap3A_383, %swap3A_384], %swap3A_387 {strides = array<i32>} : memref<128x64xf32, #tpu.memory_space<vmem>>, vector<1x16xf32>,
      %mul3A_388 = arith.constant 2.000000e-02 : f32
      %mul3A_389 = vector.broadcast %mul3A_388 : f32 to vector<16xf32>
      %mul3A_390 = arith.mulf %while3A_371#2, %mul3A_389 : vector<16xf32>
      %swap3A_391 = arith.index_cast %add3A_293 : i32 to index
      %swap3A_392 = arith.constant 32 : index
      %swap3A_393 = tpu.vector_load %arg9[%swap3A_391, %swap3A_392] {strides = array<i32>} : memref<128x64xf32, #tpu.memory_space<vmem>>, vector<1x16xf32>,
      %swap3A_394 = vector.shape_cast %swap3A_393 : vector<1x16xf32> to vector<16xf32>
      %swap3A_395 = vector.shape_cast %mul3A_390 : vector<16xf32> to vector<1x16xf32>
      tpu.vector_store %arg9[%swap3A_391, %swap3A_392], %swap3A_395 {strides = array<i32>} : memref<128x64xf32, #tpu.memory_space<vmem>>, vector<1x16xf32>,
      %mul3A_396 = arith.constant 2.000000e-02 : f32
      %mul3A_397 = vector.broadcast %mul3A_396 : f32 to vector<16xf32>
      %mul3A_398 = arith.mulf %while3A_371#3, %mul3A_397 : vector<16xf32>
      %swap3A_399 = arith.index_cast %add3A_293 : i32 to index
      %swap3A_400 = arith.constant 48 : index
      %swap3A_401 = tpu.vector_load %arg9[%swap3A_399, %swap3A_400] {strides = array<i32>} : memref<128x64xf32, #tpu.memory_space<vmem>>, vector<1x16xf32>,
      %swap3A_402 = vector.shape_cast %swap3A_401 : vector<1x16xf32> to vector<16xf32>
      %swap3A_403 = vector.shape_cast %mul3A_398 : vector<16xf32> to vector<1x16xf32>
      tpu.vector_store %arg9[%swap3A_399, %swap3A_400], %swap3A_403 {strides = array<i32>} : memref<128x64xf32, #tpu.memory_space<vmem>>, vector<1x16xf32>,
      %mul3A_404 = arith.constant 2 : i32
      %mul3A_405 = arith.muli %add3A_275, %mul3A_404 : i32
      %add3A_406 = arith.constant 1 : i32
      %add3A_407 = arith.addi %mul3A_405, %add3A_406 : i32
      %jit3A_408 = arith.constant 8 : i32
      %div3A_409 = arith.divsi %add3A_407, %jit3A_408 : i32
      %sign3A_410 = arith.constant 0 : i32
      %sign3A_411 = arith.cmpi sgt, %add3A_407, %sign3A_410 : i32
      %sign3A_412 = arith.extui %sign3A_411 : i1 to i32
      %sign3A_413 = arith.constant 0 : i32
      %sign3A_414 = arith.cmpi slt, %add3A_407, %sign3A_413 : i32
      %sign3A_415 = arith.extui %sign3A_414 : i1 to i32
      %sign3A_416 = arith.subi %sign3A_412, %sign3A_415 : i32
      %sign3A_417 = arith.constant 0 : i32
      %sign3A_418 = arith.cmpi sgt, %jit3A_408, %sign3A_417 : i32
      %sign3A_419 = arith.extui %sign3A_418 : i1 to i32
      %sign3A_420 = arith.constant 0 : i32
      %sign3A_421 = arith.cmpi slt, %jit3A_408, %sign3A_420 : i32
      %sign3A_422 = arith.extui %sign3A_421 : i1 to i32
      %sign3A_423 = arith.subi %sign3A_419, %sign3A_422 : i32
      %ne3A_424 = arith.cmpi ne, %sign3A_416, %sign3A_423 : i32
      %rem3A_425 = arith.remsi %add3A_407, %jit3A_408 : i32
      %ne3A_426 = arith.constant 0 : i32
      %ne3A_427 = arith.cmpi ne, %rem3A_425, %ne3A_426 : i32
      %and3A_428 = arith.andi %ne3A_424, %ne3A_427 : i1
      %sub3A_429 = arith.constant 1 : i32
      %sub3A_430 = arith.subi %div3A_409, %sub3A_429 : i32
      %select_n3A_431 = arith.select %and3A_428, %sub3A_430, %div3A_409 : i32
      %jit3A_432 = arith.constant 8 : i32
      %eq3A_433 = arith.constant 0 : i32
      %eq3A_434 = arith.cmpi eq, %jit3A_432, %eq3A_433 : i32
      %jit3A_435 = arith.constant 1 : i32
      %select_n3A_436 = arith.select %eq3A_434, %jit3A_435, %jit3A_432 : i32
      %rem3A_437 = arith.remsi %add3A_407, %select_n3A_436 : i32
      %ne3A_438 = arith.constant 0 : i32
      %ne3A_439 = arith.cmpi ne, %rem3A_437, %ne3A_438 : i32
      %lt3A_440 = arith.constant 0 : i32
      %lt3A_441 = arith.cmpi slt, %rem3A_437, %lt3A_440 : i32
      %lt3A_442 = arith.constant 0 : i32
      %lt3A_443 = arith.cmpi slt, %select_n3A_436, %lt3A_442 : i32
      %ne3A_444 = arith.xori %lt3A_441, %lt3A_443 : i1
      %and3A_445 = arith.andi %ne3A_444, %ne3A_439 : i1
      %add3A_446 = arith.addi %rem3A_437, %select_n3A_436 : i32
      %select_n3A_447 = arith.select %and3A_445, %add3A_446, %rem3A_437 : i32
      %mul3A_448 = arith.constant 16 : i32
      %mul3A_449 = arith.muli %select_n3A_447, %mul3A_448 : i32
      %get3A_450 = arith.index_cast %select_n3A_431 : i32 to index
      %get3A_451 = arith.index_cast %mul3A_449 : i32 to index
      %get3A_452 = tpu.vector_load %arg7[%get3A_450, %get3A_451] {strides = array<i32>} : memref<16x128xi32, #tpu.memory_space<vmem>>, vector<1x16xi32>,
      %get3A_453 = vector.shape_cast %get3A_452 : vector<1x16xi32> to vector<16xi32>
      %slice3A_454 = vector.extract_strided_slice %get3A_453 {offsets = [0], sizes = [1], strides = [1]} : vector<16xi32> to vector<1xi32>
      %squeeze3A_455 = vector.extract %slice3A_454[0] : i32 from vector<1xi32>
      %broadcast_in_dim3A_456 = arith.constant 0.000000e+00 : f32
      %broadcast_in_dim3A_457 = vector.broadcast %broadcast_in_dim3A_456 : f32 to vector<16xf32>
      %broadcast_in_dim3A_458 = arith.constant 0.000000e+00 : f32
      %broadcast_in_dim3A_459 = vector.broadcast %broadcast_in_dim3A_458 : f32 to vector<16xf32>
      %broadcast_in_dim3A_460 = arith.constant 0.000000e+00 : f32
      %broadcast_in_dim3A_461 = vector.broadcast %broadcast_in_dim3A_460 : f32 to vector<16xf32>
      %broadcast_in_dim3A_462 = arith.constant 0.000000e+00 : f32
      %broadcast_in_dim3A_463 = vector.broadcast %broadcast_in_dim3A_462 : f32 to vector<16xf32>
      %while3A_464 = arith.constant 0 : i32
      %while3A_465 = arith.subi %squeeze3A_455, %while3A_464 : i32
      %while3A_466 = arith.addi %while3A_464, %while3A_465 : i32
      %while3A_467 = arith.constant 1 : i32
      %while3A_468 = arith.divsi %while3A_465, %while3A_467 : i32
      %while3A_469 = arith.muli %while3A_468, %while3A_467 : i32
      %while3A_470 = arith.addi %while3A_464, %while3A_469 : i32
      %while3A_471 = arith.constant 1 : i32
      %while3A_472:4 = scf.for %while3A_525 = %while3A_464 to %while3A_470 step %while3A_471 iter_args(%while3A_526 = %broadcast_in_dim3A_457, %while3A_527 = %broadcast_in_dim3A_459, %while3A_528 = %broadcast_in_dim3A_461, %while3A_529 = %broadcast_in_dim3A_463) -> (vector<16xf32>, vector<16xf32>, vector<16xf32>, vector<16xf32>)  : i32 {
        %add3A_530 = arith.constant 50 : i32
        %add3A_531 = arith.addi %add3A_530, %while3A_525 : i32
        %get3A_532 = arith.constant 1 : i32
        %get3A_533 = arith.index_cast %get3A_532 : i32 to index
        %get3A_534 = arith.index_cast %add3A_531 : i32 to index
        %get3A_535 = arith.constant 0 : index
        %get3A_536 = tpu.vector_load %arg8[%get3A_533, %get3A_534, %get3A_535] {strides = array<i32>} : memref<2x100x128xf32, #tpu.memory_space<vmem>>, vector<1x1x16xf32>,
        %get3A_537 = vector.shape_cast %get3A_536 : vector<1x1x16xf32> to vector<16xf32>
        %add3A_538 = arith.addf %while3A_526, %get3A_537 : vector<16xf32>
        %add3A_539 = arith.constant 50 : i32
        %add3A_540 = arith.addi %add3A_539, %while3A_525 : i32
        %get3A_541 = arith.constant 1 : i32
        %get3A_542 = arith.index_cast %get3A_541 : i32 to index
        %get3A_543 = arith.index_cast %add3A_540 : i32 to index
        %get3A_544 = arith.constant 16 : index
        %get3A_545 = tpu.vector_load %arg8[%get3A_542, %get3A_543, %get3A_544] {strides = array<i32>} : memref<2x100x128xf32, #tpu.memory_space<vmem>>, vector<1x1x16xf32>,
        %get3A_546 = vector.shape_cast %get3A_545 : vector<1x1x16xf32> to vector<16xf32>
        %add3A_547 = arith.addf %while3A_527, %get3A_546 : vector<16xf32>
        %add3A_548 = arith.constant 50 : i32
        %add3A_549 = arith.addi %add3A_548, %while3A_525 : i32
        %get3A_550 = arith.constant 1 : i32
        %get3A_551 = arith.index_cast %get3A_550 : i32 to index
        %get3A_552 = arith.index_cast %add3A_549 : i32 to index
        %get3A_553 = arith.constant 32 : index
        %get3A_554 = tpu.vector_load %arg8[%get3A_551, %get3A_552, %get3A_553] {strides = array<i32>} : memref<2x100x128xf32, #tpu.memory_space<vmem>>, vector<1x1x16xf32>,
        %get3A_555 = vector.shape_cast %get3A_554 : vector<1x1x16xf32> to vector<16xf32>
        %add3A_556 = arith.addf %while3A_528, %get3A_555 : vector<16xf32>
        %add3A_557 = arith.constant 50 : i32
        %add3A_558 = arith.addi %add3A_557, %while3A_525 : i32
        %get3A_559 = arith.constant 1 : i32
        %get3A_560 = arith.index_cast %get3A_559 : i32 to index
        %get3A_561 = arith.index_cast %add3A_558 : i32 to index
        %get3A_562 = arith.constant 48 : index
        %get3A_563 = tpu.vector_load %arg8[%get3A_560, %get3A_561, %get3A_562] {strides = array<i32>} : memref<2x100x128xf32, #tpu.memory_space<vmem>>, vector<1x1x16xf32>,
        %get3A_564 = vector.shape_cast %get3A_563 : vector<1x1x16xf32> to vector<16xf32>
        %add3A_565 = arith.addf %while3A_529, %get3A_564 : vector<16xf32>
        scf.yield %add3A_538, %add3A_547, %add3A_556, %add3A_565 : vector<16xf32>, vector<16xf32>, vector<16xf32>, vector<16xf32>
      }
      %while3A_473 = arith.constant 1 : i32
      %while3A_474:4 = scf.for %while3A_525 = %while3A_470 to %while3A_466 step %while3A_473 iter_args(%while3A_526 = %while3A_472#0, %while3A_527 = %while3A_472#1, %while3A_528 = %while3A_472#2, %while3A_529 = %while3A_472#3) -> (vector<16xf32>, vector<16xf32>, vector<16xf32>, vector<16xf32>)  : i32 {
        %add3A_530 = arith.constant 50 : i32
        %add3A_531 = arith.addi %add3A_530, %while3A_525 : i32
        %get3A_532 = arith.constant 1 : i32
        %get3A_533 = arith.index_cast %get3A_532 : i32 to index
        %get3A_534 = arith.index_cast %add3A_531 : i32 to index
        %get3A_535 = arith.constant 0 : index
        %get3A_536 = tpu.vector_load %arg8[%get3A_533, %get3A_534, %get3A_535] {strides = array<i32>} : memref<2x100x128xf32, #tpu.memory_space<vmem>>, vector<1x1x16xf32>,
        %get3A_537 = vector.shape_cast %get3A_536 : vector<1x1x16xf32> to vector<16xf32>
        %add3A_538 = arith.addf %while3A_526, %get3A_537 : vector<16xf32>
        %add3A_539 = arith.constant 50 : i32
        %add3A_540 = arith.addi %add3A_539, %while3A_525 : i32
        %get3A_541 = arith.constant 1 : i32
        %get3A_542 = arith.index_cast %get3A_541 : i32 to index
        %get3A_543 = arith.index_cast %add3A_540 : i32 to index
        %get3A_544 = arith.constant 16 : index
        %get3A_545 = tpu.vector_load %arg8[%get3A_542, %get3A_543, %get3A_544] {strides = array<i32>} : memref<2x100x128xf32, #tpu.memory_space<vmem>>, vector<1x1x16xf32>,
        %get3A_546 = vector.shape_cast %get3A_545 : vector<1x1x16xf32> to vector<16xf32>
        %add3A_547 = arith.addf %while3A_527, %get3A_546 : vector<16xf32>
        %add3A_548 = arith.constant 50 : i32
        %add3A_549 = arith.addi %add3A_548, %while3A_525 : i32
        %get3A_550 = arith.constant 1 : i32
        %get3A_551 = arith.index_cast %get3A_550 : i32 to index
        %get3A_552 = arith.index_cast %add3A_549 : i32 to index
        %get3A_553 = arith.constant 32 : index
        %get3A_554 = tpu.vector_load %arg8[%get3A_551, %get3A_552, %get3A_553] {strides = array<i32>} : memref<2x100x128xf32, #tpu.memory_space<vmem>>, vector<1x1x16xf32>,
        %get3A_555 = vector.shape_cast %get3A_554 : vector<1x1x16xf32> to vector<16xf32>
        %add3A_556 = arith.addf %while3A_528, %get3A_555 : vector<16xf32>
        %add3A_557 = arith.constant 50 : i32
        %add3A_558 = arith.addi %add3A_557, %while3A_525 : i32
        %get3A_559 = arith.constant 1 : i32
        %get3A_560 = arith.index_cast %get3A_559 : i32 to index
        %get3A_561 = arith.index_cast %add3A_558 : i32 to index
        %get3A_562 = arith.constant 48 : index
        %get3A_563 = tpu.vector_load %arg8[%get3A_560, %get3A_561, %get3A_562] {strides = array<i32>} : memref<2x100x128xf32, #tpu.memory_space<vmem>>, vector<1x1x16xf32>,
        %get3A_564 = vector.shape_cast %get3A_563 : vector<1x1x16xf32> to vector<16xf32>
        %add3A_565 = arith.addf %while3A_529, %get3A_564 : vector<16xf32>
        scf.yield %add3A_538, %add3A_547, %add3A_556, %add3A_565 : vector<16xf32>, vector<16xf32>, vector<16xf32>, vector<16xf32>
      }
      %while3A_475 = arith.constant 50 : i32
      %while3A_476 = arith.subi %while3A_475, %squeeze3A_455 : i32
      %while3A_477 = arith.addi %squeeze3A_455, %while3A_476 : i32
      %while3A_478 = arith.constant 1 : i32
      %while3A_479 = arith.divsi %while3A_476, %while3A_478 : i32
      %while3A_480 = arith.muli %while3A_479, %while3A_478 : i32
      %while3A_481 = arith.addi %squeeze3A_455, %while3A_480 : i32
      %while3A_482 = arith.constant 1 : i32
      %while3A_483:4 = scf.for %while3A_525 = %squeeze3A_455 to %while3A_481 step %while3A_482 iter_args(%while3A_526 = %while3A_474#0, %while3A_527 = %while3A_474#1, %while3A_528 = %while3A_474#2, %while3A_529 = %while3A_474#3) -> (vector<16xf32>, vector<16xf32>, vector<16xf32>, vector<16xf32>)  : i32 {
        %add3A_530 = arith.constant 50 : i32
        %add3A_531 = arith.addi %add3A_530, %while3A_525 : i32
        %get3A_532 = arith.constant 1 : i32
        %get3A_533 = arith.index_cast %get3A_532 : i32 to index
        %get3A_534 = arith.index_cast %add3A_531 : i32 to index
        %get3A_535 = arith.constant 64 : index
        %get3A_536 = tpu.vector_load %arg8[%get3A_533, %get3A_534, %get3A_535] {strides = array<i32>} : memref<2x100x128xf32, #tpu.memory_space<vmem>>, vector<1x1x16xf32>,
        %get3A_537 = vector.shape_cast %get3A_536 : vector<1x1x16xf32> to vector<16xf32>
        %add3A_538 = arith.addf %while3A_526, %get3A_537 : vector<16xf32>
        %add3A_539 = arith.constant 50 : i32
        %add3A_540 = arith.addi %add3A_539, %while3A_525 : i32
        %get3A_541 = arith.constant 1 : i32
        %get3A_542 = arith.index_cast %get3A_541 : i32 to index
        %get3A_543 = arith.index_cast %add3A_540 : i32 to index
        %get3A_544 = arith.constant 80 : index
        %get3A_545 = tpu.vector_load %arg8[%get3A_542, %get3A_543, %get3A_544] {strides = array<i32>} : memref<2x100x128xf32, #tpu.memory_space<vmem>>, vector<1x1x16xf32>,
        %get3A_546 = vector.shape_cast %get3A_545 : vector<1x1x16xf32> to vector<16xf32>
        %add3A_547 = arith.addf %while3A_527, %get3A_546 : vector<16xf32>
        %add3A_548 = arith.constant 50 : i32
        %add3A_549 = arith.addi %add3A_548, %while3A_525 : i32
        %get3A_550 = arith.constant 1 : i32
        %get3A_551 = arith.index_cast %get3A_550 : i32 to index
        %get3A_552 = arith.index_cast %add3A_549 : i32 to index
        %get3A_553 = arith.constant 96 : index
        %get3A_554 = tpu.vector_load %arg8[%get3A_551, %get3A_552, %get3A_553] {strides = array<i32>} : memref<2x100x128xf32, #tpu.memory_space<vmem>>, vector<1x1x16xf32>,
        %get3A_555 = vector.shape_cast %get3A_554 : vector<1x1x16xf32> to vector<16xf32>
        %add3A_556 = arith.addf %while3A_528, %get3A_555 : vector<16xf32>
        %add3A_557 = arith.constant 50 : i32
        %add3A_558 = arith.addi %add3A_557, %while3A_525 : i32
        %get3A_559 = arith.constant 1 : i32
        %get3A_560 = arith.index_cast %get3A_559 : i32 to index
        %get3A_561 = arith.index_cast %add3A_558 : i32 to index
        %get3A_562 = arith.constant 112 : index
        %get3A_563 = tpu.vector_load %arg8[%get3A_560, %get3A_561, %get3A_562] {strides = array<i32>} : memref<2x100x128xf32, #tpu.memory_space<vmem>>, vector<1x1x16xf32>,
        %get3A_564 = vector.shape_cast %get3A_563 : vector<1x1x16xf32> to vector<16xf32>
        %add3A_565 = arith.addf %while3A_529, %get3A_564 : vector<16xf32>
        scf.yield %add3A_538, %add3A_547, %add3A_556, %add3A_565 : vector<16xf32>, vector<16xf32>, vector<16xf32>, vector<16xf32>
      }
      %while3A_484 = arith.constant 1 : i32
      %while3A_485:4 = scf.for %while3A_525 = %while3A_481 to %while3A_477 step %while3A_484 iter_args(%while3A_526 = %while3A_483#0, %while3A_527 = %while3A_483#1, %while3A_528 = %while3A_483#2, %while3A_529 = %while3A_483#3) -> (vector<16xf32>, vector<16xf32>, vector<16xf32>, vector<16xf32>)  : i32 {
        %add3A_530 = arith.constant 50 : i32
        %add3A_531 = arith.addi %add3A_530, %while3A_525 : i32
        %get3A_532 = arith.constant 1 : i32
        %get3A_533 = arith.index_cast %get3A_532 : i32 to index
        %get3A_534 = arith.index_cast %add3A_531 : i32 to index
        %get3A_535 = arith.constant 64 : index
        %get3A_536 = tpu.vector_load %arg8[%get3A_533, %get3A_534, %get3A_535] {strides = array<i32>} : memref<2x100x128xf32, #tpu.memory_space<vmem>>, vector<1x1x16xf32>,
        %get3A_537 = vector.shape_cast %get3A_536 : vector<1x1x16xf32> to vector<16xf32>
        %add3A_538 = arith.addf %while3A_526, %get3A_537 : vector<16xf32>
        %add3A_539 = arith.constant 50 : i32
        %add3A_540 = arith.addi %add3A_539, %while3A_525 : i32
        %get3A_541 = arith.constant 1 : i32
        %get3A_542 = arith.index_cast %get3A_541 : i32 to index
        %get3A_543 = arith.index_cast %add3A_540 : i32 to index
        %get3A_544 = arith.constant 80 : index
        %get3A_545 = tpu.vector_load %arg8[%get3A_542, %get3A_543, %get3A_544] {strides = array<i32>} : memref<2x100x128xf32, #tpu.memory_space<vmem>>, vector<1x1x16xf32>,
        %get3A_546 = vector.shape_cast %get3A_545 : vector<1x1x16xf32> to vector<16xf32>
        %add3A_547 = arith.addf %while3A_527, %get3A_546 : vector<16xf32>
        %add3A_548 = arith.constant 50 : i32
        %add3A_549 = arith.addi %add3A_548, %while3A_525 : i32
        %get3A_550 = arith.constant 1 : i32
        %get3A_551 = arith.index_cast %get3A_550 : i32 to index
        %get3A_552 = arith.index_cast %add3A_549 : i32 to index
        %get3A_553 = arith.constant 96 : index
        %get3A_554 = tpu.vector_load %arg8[%get3A_551, %get3A_552, %get3A_553] {strides = array<i32>} : memref<2x100x128xf32, #tpu.memory_space<vmem>>, vector<1x1x16xf32>,
        %get3A_555 = vector.shape_cast %get3A_554 : vector<1x1x16xf32> to vector<16xf32>
        %add3A_556 = arith.addf %while3A_528, %get3A_555 : vector<16xf32>
        %add3A_557 = arith.constant 50 : i32
        %add3A_558 = arith.addi %add3A_557, %while3A_525 : i32
        %get3A_559 = arith.constant 1 : i32
        %get3A_560 = arith.index_cast %get3A_559 : i32 to index
        %get3A_561 = arith.index_cast %add3A_558 : i32 to index
        %get3A_562 = arith.constant 112 : index
        %get3A_563 = tpu.vector_load %arg8[%get3A_560, %get3A_561, %get3A_562] {strides = array<i32>} : memref<2x100x128xf32, #tpu.memory_space<vmem>>, vector<1x1x16xf32>,
        %get3A_564 = vector.shape_cast %get3A_563 : vector<1x1x16xf32> to vector<16xf32>
        %add3A_565 = arith.addf %while3A_529, %get3A_564 : vector<16xf32>
        scf.yield %add3A_538, %add3A_547, %add3A_556, %add3A_565 : vector<16xf32>, vector<16xf32>, vector<16xf32>, vector<16xf32>
      }
      %mul3A_486 = arith.constant 2.000000e-02 : f32
      %mul3A_487 = vector.broadcast %mul3A_486 : f32 to vector<16xf32>
      %mul3A_488 = arith.mulf %while3A_485#0, %mul3A_487 : vector<16xf32>
      %swap3A_489 = arith.index_cast %add3A_407 : i32 to index
      %swap3A_490 = arith.constant 0 : index
      %swap3A_491 = tpu.vector_load %arg9[%swap3A_489, %swap3A_490] {strides = array<i32>} : memref<128x64xf32, #tpu.memory_space<vmem>>, vector<1x16xf32>,
      %swap3A_492 = vector.shape_cast %swap3A_491 : vector<1x16xf32> to vector<16xf32>
      %swap3A_493 = vector.shape_cast %mul3A_488 : vector<16xf32> to vector<1x16xf32>
      tpu.vector_store %arg9[%swap3A_489, %swap3A_490], %swap3A_493 {strides = array<i32>} : memref<128x64xf32, #tpu.memory_space<vmem>>, vector<1x16xf32>,
      %mul3A_494 = arith.constant 2.000000e-02 : f32
      %mul3A_495 = vector.broadcast %mul3A_494 : f32 to vector<16xf32>
      %mul3A_496 = arith.mulf %while3A_485#1, %mul3A_495 : vector<16xf32>
      %swap3A_497 = arith.index_cast %add3A_407 : i32 to index
      %swap3A_498 = arith.constant 16 : index
      %swap3A_499 = tpu.vector_load %arg9[%swap3A_497, %swap3A_498] {strides = array<i32>} : memref<128x64xf32, #tpu.memory_space<vmem>>, vector<1x16xf32>,
      %swap3A_500 = vector.shape_cast %swap3A_499 : vector<1x16xf32> to vector<16xf32>
      %swap3A_501 = vector.shape_cast %mul3A_496 : vector<16xf32> to vector<1x16xf32>
      tpu.vector_store %arg9[%swap3A_497, %swap3A_498], %swap3A_501 {strides = array<i32>} : memref<128x64xf32, #tpu.memory_space<vmem>>, vector<1x16xf32>,
      %mul3A_502 = arith.constant 2.000000e-02 : f32
      %mul3A_503 = vector.broadcast %mul3A_502 : f32 to vector<16xf32>
      %mul3A_504 = arith.mulf %while3A_485#2, %mul3A_503 : vector<16xf32>
      %swap3A_505 = arith.index_cast %add3A_407 : i32 to index
      %swap3A_506 = arith.constant 32 : index
      %swap3A_507 = tpu.vector_load %arg9[%swap3A_505, %swap3A_506] {strides = array<i32>} : memref<128x64xf32, #tpu.memory_space<vmem>>, vector<1x16xf32>,
      %swap3A_508 = vector.shape_cast %swap3A_507 : vector<1x16xf32> to vector<16xf32>
      %swap3A_509 = vector.shape_cast %mul3A_504 : vector<16xf32> to vector<1x16xf32>
      tpu.vector_store %arg9[%swap3A_505, %swap3A_506], %swap3A_509 {strides = array<i32>} : memref<128x64xf32, #tpu.memory_space<vmem>>, vector<1x16xf32>,
      %mul3A_510 = arith.constant 2.000000e-02 : f32
      %mul3A_511 = vector.broadcast %mul3A_510 : f32 to vector<16xf32>
      %mul3A_512 = arith.mulf %while3A_485#3, %mul3A_511 : vector<16xf32>
      %swap3A_513 = arith.index_cast %add3A_407 : i32 to index
      %swap3A_514 = arith.constant 48 : index
      %swap3A_515 = tpu.vector_load %arg9[%swap3A_513, %swap3A_514] {strides = array<i32>} : memref<128x64xf32, #tpu.memory_space<vmem>>, vector<1x16xf32>,
      %swap3A_516 = vector.shape_cast %swap3A_515 : vector<1x16xf32> to vector<16xf32>
      %swap3A_517 = vector.shape_cast %mul3A_512 : vector<16xf32> to vector<1x16xf32>
      tpu.vector_store %arg9[%swap3A_513, %swap3A_514], %swap3A_517 {strides = array<i32>} : memref<128x64xf32, #tpu.memory_space<vmem>>, vector<1x16xf32>,
      %add3A_518 = arith.constant 2 : i32
      %add3A_519 = arith.addi %add3A_275, %add3A_518 : i32
      %lt3A_520 = arith.constant 64 : i32
      %lt3A_521 = arith.cmpi slt, %add3A_519, %lt3A_520 : i32
      %convert_element_type3A_522 = arith.extui %lt3A_521 : i1 to i32
      %cond3A_523 = arith.constant 0 : i32
      %cond3A_524 = arith.cmpi ne, %convert_element_type3A_522, %cond3A_523 : i32
      scf.if %cond3A_524 {
        %add3A_525 = arith.constant 2 : i32
        %add3A_526 = arith.addi %add3A_275, %add3A_525 : i32
        %dma_start3A_527 = arith.constant 1 : i32
        %dma_start3A_528 = arith.constant 1 : i32
        %dma_start3A_529 = arith.constant 0 : i32
        %dma_start3A_530 = arith.constant 0 : i32
        %dma_start3A_531 = tpu.memref_slice %arg8[%dma_start3A_527, %dma_start3A_529, %dma_start3A_530] : memref<2x100x128xf32, #tpu.memory_space<vmem>> -> memref<1x100x128xf32, #tpu.memory_space<vmem>>
        %dma_start3A_532 = tpu.memref_squeeze %dma_start3A_531 : memref<1x100x128xf32, #tpu.memory_space<vmem>> -> memref<100x128xf32, #tpu.memory_space<vmem>>
        %dma_start3A_533 = arith.constant 0 : i32
        %dma_start3A_534 = tpu.memref_slice %arg6[%add3A_526, %dma_start3A_533] : memref<64x100xi32, #tpu.memory_space<vmem>> -> memref<1x100xi32, #tpu.memory_space<vmem>>
        %dma_start3A_535 = tpu.memref_squeeze %dma_start3A_534 : memref<1x100xi32, #tpu.memory_space<vmem>> -> memref<100xi32, #tpu.memory_space<vmem>>
        %dma_start3A_536 = arith.constant 0 : i32
        %dma_start3A_537 = arith.constant 0 : i32
        %dma_start3A_538 = tpu.memref_slice %arg2[%dma_start3A_536, %dma_start3A_537] : memref<500736x128xf32, #tpu.memory_space<hbm>> -> memref<500736x128xf32, #tpu.memory_space<hbm>>
        %dma_start3A_539 = tpu.memref_slice %arg10[%dma_start3A_528] : memref<2x!tpu.dma_semaphore, #tpu.memory_space<semaphore_mem>> -> memref<1x!tpu.dma_semaphore, #tpu.memory_space<semaphore_mem>>
        %dma_start3A_540 = tpu.memref_squeeze %dma_start3A_539 : memref<1x!tpu.dma_semaphore, #tpu.memory_space<semaphore_mem>> -> memref<!tpu.dma_semaphore, #tpu.memory_space<semaphore_mem>>
        tpu.enqueue_indirect_dma source(%dma_start3A_538 : memref<500736x128xf32, #tpu.memory_space<hbm>>) target(%dma_start3A_532 : memref<100x128xf32, #tpu.memory_space<vmem>>) offsets(%dma_start3A_535 : memref<100xi32, #tpu.memory_space<vmem>>) semaphore(%dma_start3A_540 : memref<!tpu.dma_semaphore, #tpu.memory_space<semaphore_mem>>)
      } else {
      }
    }
    %scan3A_36 = arith.constant 32 : i32
    "tpu.region"() ({
      %run_scoped3A = tpu.sem_alloc : memref<!tpu.dma_semaphore, #tpu.memory_space<semaphore_mem>>
      %dma_start3A_37 = arith.constant 0 : i32
      %dma_start3A_38 = tpu.memref_slice %arg5[%mul3A_2, %dma_start3A_37] : memref<4096x64xf32, #tpu.memory_space<hbm>> -> memref<128x64xf32, #tpu.memory_space<hbm>>
      %dma_start3A_39 = arith.constant 0 : i32
      %dma_start3A_40 = tpu.memref_slice %arg5[%mul3A_2, %dma_start3A_39] : memref<4096x64xf32, #tpu.memory_space<hbm>> -> memref<128x64xf32, #tpu.memory_space<hbm>>
      tpu.enqueue_dma source(%arg9 : memref<128x64xf32, #tpu.memory_space<vmem>>) target(%dma_start3A_40 : memref<128x64xf32, #tpu.memory_space<hbm>>) target_semaphore(%run_scoped3A : memref<!tpu.dma_semaphore, #tpu.memory_space<semaphore_mem>>)
      %dma_wait3A = arith.constant 0 : i32
      %dma_wait3A_41 = tpu.memref_slice %arg5[%mul3A_2, %dma_wait3A] : memref<4096x64xf32, #tpu.memory_space<hbm>> -> memref<128x64xf32, #tpu.memory_space<hbm>>
      %dma_wait3A_42 = arith.constant 0 : i32
      %dma_wait3A_43 = tpu.memref_slice %arg5[%mul3A_2, %dma_wait3A_42] : memref<4096x64xf32, #tpu.memory_space<hbm>> -> memref<128x64xf32, #tpu.memory_space<hbm>>
      tpu.wait_dma2 semaphore(%run_scoped3A : memref<!tpu.dma_semaphore, #tpu.memory_space<semaphore_mem>>) src(%arg9 : memref<128x64xf32, #tpu.memory_space<vmem>>) dst(%dma_wait3A_43 : memref<128x64xf32, #tpu.memory_space<hbm>>)
      tpu.yield
    }) : () -> ()
    return
  }
}

module attributes {stable_mosaic.version = 14 : i64} {
  func.func @_tr_body(%arg0: i32, %arg1: memref<64x2048xf32, #tpu.memory_space<vmem>>, %arg2: memref<1024x128xf32, #tpu.memory_space<vmem>>) attributes {dimension_semantics = [#tpu.dimension_semantics<arbitrary>], iteration_bounds = array<i64: 489>, scalar_prefetch = 0 : i64, scratch_operands = 0 : i64, tpu.core_type = #tpu.core_type<tc>, window_params = [{transform_indices = @transform_0, window_bounds = array<i64: 64, 2048>}, {transform_indices = @transform_1, window_bounds = array<i64: 1024, 128>}]} {
    %iota3A = tpu.iota {dimensions = array<i32: 0>} : vector<256x256xi32>
    %iota3A_0 = tpu.iota {dimensions = array<i32: 1>} : vector<256x256xi32>
    %eq3A = arith.cmpi eq, %iota3A, %iota3A_0 : vector<256x256xi32>
    %convert_element_type3A = arith.extui %eq3A : vector<256x256xi1> to vector<256x256xi32>
    %convert_element_type3A_1 = arith.sitofp %convert_element_type3A : vector<256x256xi32> to vector<256x256xf32>
    %convert_element_type3A_2 = arith.truncf %convert_element_type3A_1 : vector<256x256xf32> to vector<256x256xbf16>
    %get3A = arith.constant 0 : index
    %get3A_3 = arith.constant 0 : index
    %get3A_4 = vector.load %arg1[%get3A, %get3A_3] : memref<64x2048xf32, #tpu.memory_space<vmem>>, vector<64x256xf32>
    %get3A_5 = arith.constant 0 : index
    %get3A_6 = arith.constant 512 : index
    %get3A_7 = vector.load %arg1[%get3A_5, %get3A_6] : memref<64x2048xf32, #tpu.memory_space<vmem>>, vector<64x256xf32>
    %get3A_8 = arith.constant 0 : index
    %get3A_9 = arith.constant 1024 : index
    %get3A_10 = vector.load %arg1[%get3A_8, %get3A_9] : memref<64x2048xf32, #tpu.memory_space<vmem>>, vector<64x256xf32>
    %get3A_11 = arith.constant 0 : index
    %get3A_12 = arith.constant 1536 : index
    %get3A_13 = vector.load %arg1[%get3A_11, %get3A_12] : memref<64x2048xf32, #tpu.memory_space<vmem>>, vector<64x256xf32>
    %concatenate3A = tpu.concatenate %get3A_4, %get3A_7, %get3A_10, %get3A_13 in 0 : vector<64x256xf32>, vector<64x256xf32>, vector<64x256xf32>, vector<64x256xf32> -> vector<256x256xf32>
    %convert_element_type3A_14 = arith.truncf %concatenate3A : vector<256x256xf32> to vector<256x256xbf16>
    %dot_general3A = arith.constant dense<0.000000e+00> : vector<256x256xf32>
    %dot_general3A_15 = tpu.matmul %convert_element_type3A_14, %convert_element_type3A_2, %dot_general3A {dimension_numbers = #tpu.dot_dimension_numbers<[0], [0], [1], [1], [0, 1, 1, 1], [], []>, transpose_lhs_hint = false} : vector<256x256xbf16>, vector<256x256xbf16>, vector<256x256xf32> -> vector<256x256xf32>
    %slice3A = vector.extract_strided_slice %dot_general3A_15 {offsets = [0, 0], sizes = [256, 64], strides = [1, 1]} : vector<256x256xf32> to vector<256x64xf32>
    %swap3A = arith.constant 0 : index
    %swap3A_16 = arith.constant 0 : index
    %swap3A_17 = vector.load %arg2[%swap3A, %swap3A_16] : memref<1024x128xf32, #tpu.memory_space<vmem>>, vector<256x64xf32>
    tpu.vector_store %arg2[%swap3A, %swap3A_16], %slice3A {strides = array<i32>} : memref<1024x128xf32, #tpu.memory_space<vmem>>, vector<256x64xf32>,
    %slice3A_18 = vector.extract_strided_slice %dot_general3A_15 {offsets = [0, 64], sizes = [256, 64], strides = [1, 1]} : vector<256x256xf32> to vector<256x64xf32>
    %swap3A_19 = arith.constant 256 : index
    %swap3A_20 = arith.constant 0 : index
    %swap3A_21 = vector.load %arg2[%swap3A_19, %swap3A_20] : memref<1024x128xf32, #tpu.memory_space<vmem>>, vector<256x64xf32>
    tpu.vector_store %arg2[%swap3A_19, %swap3A_20], %slice3A_18 {strides = array<i32>} : memref<1024x128xf32, #tpu.memory_space<vmem>>, vector<256x64xf32>,
    %slice3A_22 = vector.extract_strided_slice %dot_general3A_15 {offsets = [0, 128], sizes = [256, 64], strides = [1, 1]} : vector<256x256xf32> to vector<256x64xf32>
    %swap3A_23 = arith.constant 512 : index
    %swap3A_24 = arith.constant 0 : index
    %swap3A_25 = vector.load %arg2[%swap3A_23, %swap3A_24] : memref<1024x128xf32, #tpu.memory_space<vmem>>, vector<256x64xf32>
    tpu.vector_store %arg2[%swap3A_23, %swap3A_24], %slice3A_22 {strides = array<i32>} : memref<1024x128xf32, #tpu.memory_space<vmem>>, vector<256x64xf32>,
    %slice3A_26 = vector.extract_strided_slice %dot_general3A_15 {offsets = [0, 192], sizes = [256, 64], strides = [1, 1]} : vector<256x256xf32> to vector<256x64xf32>
    %swap3A_27 = arith.constant 768 : index
    %swap3A_28 = arith.constant 0 : index
    %swap3A_29 = vector.load %arg2[%swap3A_27, %swap3A_28] : memref<1024x128xf32, #tpu.memory_space<vmem>>, vector<256x64xf32>
    tpu.vector_store %arg2[%swap3A_27, %swap3A_28], %slice3A_26 {strides = array<i32>} : memref<1024x128xf32, #tpu.memory_space<vmem>>, vector<256x64xf32>,
    %get3A_30 = arith.constant 0 : index
    %get3A_31 = arith.constant 256 : index
    %get3A_32 = vector.load %arg1[%get3A_30, %get3A_31] : memref<64x2048xf32, #tpu.memory_space<vmem>>, vector<64x256xf32>
    %get3A_33 = arith.constant 0 : index
    %get3A_34 = arith.constant 768 : index
    %get3A_35 = vector.load %arg1[%get3A_33, %get3A_34] : memref<64x2048xf32, #tpu.memory_space<vmem>>, vector<64x256xf32>
    %get3A_36 = arith.constant 0 : index
    %get3A_37 = arith.constant 1280 : index
    %get3A_38 = vector.load %arg1[%get3A_36, %get3A_37] : memref<64x2048xf32, #tpu.memory_space<vmem>>, vector<64x256xf32>
    %get3A_39 = arith.constant 0 : index
    %get3A_40 = arith.constant 1792 : index
    %get3A_41 = vector.load %arg1[%get3A_39, %get3A_40] : memref<64x2048xf32, #tpu.memory_space<vmem>>, vector<64x256xf32>
    %concatenate3A_42 = tpu.concatenate %get3A_32, %get3A_35, %get3A_38, %get3A_41 in 0 : vector<64x256xf32>, vector<64x256xf32>, vector<64x256xf32>, vector<64x256xf32> -> vector<256x256xf32>
    %convert_element_type3A_43 = arith.truncf %concatenate3A_42 : vector<256x256xf32> to vector<256x256xbf16>
    %dot_general3A_44 = arith.constant dense<0.000000e+00> : vector<256x256xf32>
    %dot_general3A_45 = tpu.matmul %convert_element_type3A_43, %convert_element_type3A_2, %dot_general3A_44 {dimension_numbers = #tpu.dot_dimension_numbers<[0], [0], [1], [1], [0, 1, 1, 1], [], []>, transpose_lhs_hint = false} : vector<256x256xbf16>, vector<256x256xbf16>, vector<256x256xf32> -> vector<256x256xf32>
    %slice3A_46 = vector.extract_strided_slice %dot_general3A_45 {offsets = [0, 0], sizes = [256, 64], strides = [1, 1]} : vector<256x256xf32> to vector<256x64xf32>
    %swap3A_47 = arith.constant 0 : index
    %swap3A_48 = arith.constant 64 : index
    %swap3A_49 = vector.load %arg2[%swap3A_47, %swap3A_48] : memref<1024x128xf32, #tpu.memory_space<vmem>>, vector<256x64xf32>
    tpu.vector_store %arg2[%swap3A_47, %swap3A_48], %slice3A_46 {strides = array<i32>} : memref<1024x128xf32, #tpu.memory_space<vmem>>, vector<256x64xf32>,
    %slice3A_50 = vector.extract_strided_slice %dot_general3A_45 {offsets = [0, 64], sizes = [256, 64], strides = [1, 1]} : vector<256x256xf32> to vector<256x64xf32>
    %swap3A_51 = arith.constant 256 : index
    %swap3A_52 = arith.constant 64 : index
    %swap3A_53 = vector.load %arg2[%swap3A_51, %swap3A_52] : memref<1024x128xf32, #tpu.memory_space<vmem>>, vector<256x64xf32>
    tpu.vector_store %arg2[%swap3A_51, %swap3A_52], %slice3A_50 {strides = array<i32>} : memref<1024x128xf32, #tpu.memory_space<vmem>>, vector<256x64xf32>,
    %slice3A_54 = vector.extract_strided_slice %dot_general3A_45 {offsets = [0, 128], sizes = [256, 64], strides = [1, 1]} : vector<256x256xf32> to vector<256x64xf32>
    %swap3A_55 = arith.constant 512 : index
    %swap3A_56 = arith.constant 64 : index
    %swap3A_57 = vector.load %arg2[%swap3A_55, %swap3A_56] : memref<1024x128xf32, #tpu.memory_space<vmem>>, vector<256x64xf32>
    tpu.vector_store %arg2[%swap3A_55, %swap3A_56], %slice3A_54 {strides = array<i32>} : memref<1024x128xf32, #tpu.memory_space<vmem>>, vector<256x64xf32>,
    %slice3A_58 = vector.extract_strided_slice %dot_general3A_45 {offsets = [0, 192], sizes = [256, 64], strides = [1, 1]} : vector<256x256xf32> to vector<256x64xf32>
    %swap3A_59 = arith.constant 768 : index
    %swap3A_60 = arith.constant 64 : index
    %swap3A_61 = vector.load %arg2[%swap3A_59, %swap3A_60] : memref<1024x128xf32, #tpu.memory_space<vmem>>, vector<256x64xf32>
    tpu.vector_store %arg2[%swap3A_59, %swap3A_60], %slice3A_58 {strides = array<i32>} : memref<1024x128xf32, #tpu.memory_space<vmem>>, vector<256x64xf32>,
    return
  }
  func.func @transform_0(%arg0: i32) -> (i32, i32) {
    %c0_i32 = arith.constant 0 : i32
    %c0_i32_0 = arith.constant 0 : i32
    return %c0_i32, %arg0 : i32, i32
  }
  func.func @transform_1(%arg0: i32) -> (i32, i32) {
    %c0_i32 = arith.constant 0 : i32
    %c0_i32_0 = arith.constant 0 : i32
    return %arg0, %c0_i32 : i32, i32
  }
}

</mosaic_0001>

<sc_bundles>
// kernel: _run.4.cloned.1.call-start
scs
__scs_entry_jumppad:
0x0: {  	(pc) =	sbr.rel $0x88, $3  }
0x1: {  	(tag) =	ssettag $0x0;
	lr =	simm.s32 $0x1  }
0x2: {  	[smem:$0x3F9E] =	sst lr;
	_ =	strace $0xD0000000  }
0x3: {  	_ = 	snop  }
0x4: {  	_ = 	snop  }
0x5: {  	_ = 	snop  }
0x6: {  	_ = 	snop  }
0x7: {  	_ = 	snop  }
__scs_overlays_trampoline_lowered:
0x8: {  	[smem:$0x3FAD] =	sst s0  }
0x9: {  	[smem:$0x3FAE] =	sst s1  }
0xa: {  	[smem:$0x3FAF] =	sst s2  }
0xb: {  	[smem:$0x3FB0] =	sst s3  }
0xc: {  	[smem:$0x3FB1] =	sst s4  }
0xd: {  	[smem:$0x3FB2] =	sst s5  }
0xe: {  	[smem:$0x3FB3] =	sst s6  }
0xf: {  	[smem:$0x3FB4] =	sst s7  }
0x10: {  	[smem:$0x3FB5] =	sst s8  }
0x11: {  	[smem:$0x3FB6] =	sst s9;
	s0 =	simm.s32 @!p0 $0x0  }
0x12: {  	s1 =	sld [smem:$0x3F9C];
	s0 =	simm.s32 @p0 $0x1  }
0x13: {  	[smem:$0x3FB7] =	sst s0;
	s0 =	simm.s32 @!p1 $0x0  }
0x14: {  	s2 =	sld [smem:$0x3F9B];
	s0 =	simm.s32 @p1 $0x1  }
0x15: {  	[smem:$0x3FB8] =	sst s0;
	s0 =	simm.s32 @!p2 $0x0  }
0x16: {  	s3 =	sld [smem:$0x3FDB];
	s0 =	simm.s32 @p2 $0x1  }
0x17: {  	s4 =	simm.s32 $0x1BF5;
	[smem:$0x3FBA] =	sst s0  }
0x18: {  	s0 =	sld [smem:$0x3F9D];
	_ =	swait.ge [sflag:s4], $0x0  }
0x19: {  	s7 =	sld [smem:$0x3F9E]  }
0x1a: {  	s8 =	sadd.s32 $0xFFFFE003, lr  }
0x1b: {  	s9 =	sadd.s32 $0xFFFFFEF7, lr;
	s5 =	simm.s32 $0xFFFFFFFF;
	p2 =	slt.u32 s8, $0xFFFFF086  }
0x1c: {  	p1 =	slt.u32 s9, $0xF7A;
	s5 =	simm.s32 @!p2 $0x0  }
0x1d: {  	s5 =	simm.s32 @p1 $0x1;
	p0 =	seq.s32 s7, s2  }
0x1e: {  	s7 =	smul.u32 @!p0 $0xF7A, s2;
	p2 =	seq.s32 @!p0 s5, $0x0  }
0x1f: {  	s9 =	smul.u32 $0xF7A, s1;
	s8 =	simm.s32 @!p0 $0x1BF5;
	p2 =	por !p2, p0  }
0x20: {  	[sflag:s8] =	ssyncset.s32 @!p0 $0xFFFFF086;
	s6 =	sadd.s32 @!p0 s3, s7;
	s7 =	simm.s32 @!p0 $0x108  }
0x21: {  	s3 =	sadd.s32 s3, s9;
	s6 =	sadd.s32 @!p0 $0x88, s6;
	s7 =	simm.s32 @p2 $0x1082  }
0x22: {  	[simem:s7], [sflag:s8] =	dma.local @!p0 [hbm:s6], $0xF7A  }
0x23: {  	s9 =	sor.u32 $0xD0000000, s2;
	s6 =	simm.s32 $0x108;
	_ =	swait.ge @!p0 [sflag:s8], $0x0  }
0x24: {  	s3 =	sadd.s32 $0x88, s3;
	s6 =	simm.s32 @!p1 $0x1082;
	[sflag:s4] =	ssyncset.s32 $0xFFFFF086  }
0x25: {  	[simem:s6], [sflag:s4] =	dma.local [hbm:s3], $0xF7A  }
0x26: {  	[smem:$0x3F9E] =	sst s1;
	(tag) =	ssettag s2;
	_ =	strace s9  }
0x27: {  	s1 =	sld [smem:$0x3FAE]  }
0x28: {  	s2 =	sld [smem:$0x3FAF]  }
0x29: {  	s4 =	sld [smem:$0x3FB1]  }
0x2a: {  	p0 =	seq.s32 s5, $0x0;
	s5 =	sld [smem:$0x3FB2]  }
0x2b: {  	s6 =	sld [smem:$0x3FB3]  }
0x2c: {  	s7 =	sld [smem:$0x3FB4]  }
0x2d: {  	s3 =	simm.s32 $0x108;
	s8 =	sld [smem:$0x3FB5]  }
0x2e: {  	s3 =	simm.s32 @!p0 $0x1082;
	s9 =	sld [smem:$0x3FB6]  }
0x2f: {  	lr =	sadd.s32 s0, s3;
	s0 =	sld [smem:$0x3FAD]  }
0x30: {  	s3 =	sld [smem:$0x3FB0]  }
0x31: {  	[smem:$0x3FB9] =	sst s10  }
0x32: {  	s10 =	sld [smem:$0x3FB7];
	_ =	sdelay $0x3  }
0x33: {  	p0 =	seq.s32 s10, $0x1;
	s10 =	sld [smem:$0x3FB9];
	_ =	sdelay $0x3  }
0x34: {  	[smem:$0x3FB9] =	sst s10  }
0x35: {  	s10 =	sld [smem:$0x3FB8];
	_ =	sdelay $0x3  }
0x36: {  	p1 =	seq.s32 s10, $0x1;
	s10 =	sld [smem:$0x3FB9];
	_ =	sdelay $0x3  }
0x37: {  	[smem:$0x3FB9] =	sst s10  }
0x38: {  	s10 =	sld [smem:$0x3FBA]  }
0x39: {  	_ = 	snop;
	(pc) =	sbr.ind lr, $3  }
0x3a: {  	_ = 	snop  }
0x3b: {  	_ = 	snop  }
0x3c: {  	p2 =	seq.s32 s10, $0x1;
	s10 =	sld [smem:$0x3FB9]  }
0x3d: {  	_ =	shalt  }
0x3e: {  	_ =	shalt  }
0x3f: {  	_ =	shalt  }
0x40: {  	_ =	shalt  }
0x41: {  	_ =	shalt  }
0x42: {  	_ =	shalt  }
0x43: {  	_ =	shalt  }
0x44: {  	_ =	shalt  }
0x45: {  	_ =	shalt  }
0x46: {  	_ =	shalt  }
0x47: {  	_ =	shalt  }
0x48: {  	_ =	shalt  }
0x49: {  	_ =	shalt  }
0x4a: {  	_ =	shalt  }
0x4b: {  	_ =	shalt  }
0x4c: {  	_ =	shalt  }
0x4d: {  	_ =	shalt  }
0x4e: {  	_ =	shalt  }
0x4f: {  	_ =	shalt  }
0x50: {  	_ =	shalt  }
0x51: {  	_ =	shalt  }
0x52: {  	_ =	shalt  }
0x53: {  	_ =	shalt  }
0x54: {  	_ =	shalt  }
0x55: {  	_ =	shalt  }
0x56: {  	_ =	shalt  }
0x57: {  	_ =	shalt  }
0x58: {  	_ =	shalt  }
0x59: {  	_ =	shalt  }
0x5a: {  	_ =	shalt  }
0x5b: {  	_ =	shalt  }
0x5c: {  	_ =	shalt  }
0x5d: {  	_ =	shalt  }
0x5e: {  	_ =	shalt  }
0x5f: {  	_ =	shalt  }
0x60: {  	_ =	shalt  }
0x61: {  	_ =	shalt  }
0x62: {  	_ =	shalt  }
0x63: {  	_ =	shalt  }
0x64: {  	_ =	shalt  }
0x65: {  	_ =	shalt  }
0x66: {  	_ =	shalt  }
0x67: {  	_ =	shalt  }
0x68: {  	_ =	shalt  }
0x69: {  	_ =	shalt  }
0x6a: {  	_ =	shalt  }
0x6b: {  	_ =	shalt  }
0x6c: {  	_ =	shalt  }
0x6d: {  	_ =	shalt  }
0x6e: {  	_ =	shalt  }
0x6f: {  	_ =	shalt  }
0x70: {  	_ =	shalt  }
0x71: {  	_ =	shalt  }
0x72: {  	_ =	shalt  }
0x73: {  	_ =	shalt  }
0x74: {  	_ =	shalt  }
0x75: {  	_ =	shalt  }
0x76: {  	_ =	shalt  }
0x77: {  	_ =	shalt  }
0x78: {  	_ =	shalt  }
0x79: {  	_ =	shalt  }
0x7a: {  	_ =	shalt  }
0x7b: {  	_ =	shalt  }
0x7c: {  	_ =	shalt  }
0x7d: {  	_ =	shalt  }
0x7e: {  	_ =	shalt  }
0x7f: {  	_ =	shalt  }
0x80: {  	_ =	shalt  }
0x81: {  	_ =	shalt  }
0x82: {  	_ =	shalt  }
0x83: {  	_ =	shalt  }
0x84: {  	_ =	shalt  }
0x85: {  	_ =	shalt  }
0x86: {  	_ =	shalt  }
0x87: {  	_ =	shalt  }
.Lfunc_end0:
.L_simem_size_0:
called_computation_lowered:
.L_overlay_start_0:
0x88: {  	s2 =	sld [smem:$0x3FD9]  }
0x89: {  	s3 =	sld [smem:$0x3FFE];
	_ =	sdelay $0x1  }
0x8a: {  	s1 =	srdreg.scid  }
0x8b: {  	s0 =	sand.u32 $0x1, s1  }
0x8c: {  	s17 =	sshll.u32 s0, $0xA;
	s2 =	sadd.s32 s3, s2  }
0x8d: {  	s2 =	sadd.s32 s2, s17  }
0x8e: {  	[smem:$0x3FC5] =	sst s2  }
0x8f: {  	_ = 	snop  }
0x90: {  	s2 =	sld [smem:$0x3FC8]  }
0x91: {  	s18 =	sld [smem:$0x3FC7];
	(tm) =	ssettm $0x1  }
0x92: {  	s4 =	sld [smem:$0x3FFB];
	_ =	sdelay $0x3  }
0x93: {  	_ =	strace s4  }
0x94: {  	s4 =	sld [smem:$0x3FFC];
	_ =	sdelay $0x3  }
0x95: {  	_ =	strace s4  }
0x96: {  	s4 =	sld [smem:$0x3FFD];
	_ =	sdelay $0x3  }
0x97: {  	_ =	strace s4  }
0x98: {  	_ =	strace $0x8FFFFFFF  }
0x99: {  	s19 =	sld [smem:$0x3FDB];
	_ =	sdelay $0x1  }
0x9a: {  	s5 =	simm.s32 $_scs_section_size  }
0x9b: {  	s6 =	simm.s32 $_size__tile_overlayer_lowered;
	s7 =	simm.s32 $_tile_overlayer_lowered  }
0x9c: {  	s22 =	simm.s32 $0x1BFF;
	s21 =	sshll.u32 s7, $0x1;
	s4 =	sadd.s32 s5, s19  }
0x9d: {  	s8 =	simm.s32 $0x0;
	s20 =	sshll.u32 s6, $0x1;
	s6 =	sadd.s32 s21, s4  }
0x9e: {  	[timem:s8], [sflag:s22] =	dma.local [hbm:s6], s20  }
0x9f: {  	_ =	swait.ge [sflag:s22], s20  }
0xa0: {  	s5 =	ssub.s32 $0x0, s20;
	[sflag:s22] =	ssyncset.done $0x0  }
0xa1: {  	[sflag:s22] =	ssyncadd.s32 s5;
	_ =	sdelay $0x1  }
0xa2: {  	s23 =	simm.s32 $0x1B8B  }
0xa3: {  	_ =	swait.ge [sflag:s23], $0x1  }
0xa4: {  	[sflag:s23] =	ssyncset.done $0x0  }
0xa5: {  	s25 =	simm.s32 $0x1B8E;
	s24 =	sld [smem:$0x3FFE];
	[sflag:s23] =	ssyncadd.s32 $0xFFFFFFFF  }
0xa6: {  	s26 =	simm.s32 $execute0_lowered;
	[smem:$0x3FD2] =	sst s25  }
0xa7: {  	s6 =	sshll.u32 s26, $0x1;
	_ =	strace $0x80000046;
	[dreg:$0x1] =	wrdreg $0xFFFFFFFF  }
0xa8: {  	s28 =	simm.s32 $_size_execute0_lowered;
	s4 =	sadd.s32 s4, s6;
	[dreg:$0x0] =	wrdreg $0x0  }
0xa9: {  	s6 =	sshll.u32 s28, $0x1;
	[dreg:$0x2] =	wrdreg s4  }
0xaa: {  	[dreg:$0x3] =	wrdreg s6  }
0xab: {  	[dreg:$0x4] =	wrdreg $0xC0  }
0xac: {  	_ =	task [dreg:s8], $0x5FFFF  }
0xad: {  	[dreg:$0x1] =	wrdreg $0xFFFFFFFF  }
0xae: {  	[dreg:$0x0] =	wrdreg $0x60  }
0xaf: {  	[dreg:$0x2] =	wrdreg s24  }
0xb0: {  	[dreg:$0x3] =	wrdreg s2  }
0xb1: {  	[dreg:$0x4] =	wrdreg s18  }
0xb2: {  	[dreg:$0x5] =	wrdreg $0x9  }
0xb3: {  	_ =	task.clear_ibuf [dreg:s8], $0x6FFFF;
	_ =	strace $0x90000046  }
0xb4: {  	s29 =	simm.s32 $0x9;
	_ =	strace $0x80000048  }
0xb5: {  	_ =	swait.ge [sflag:s29], $0x1  }
0xb6: {  	[sflag:s29] =	ssyncadd.s32 $0xFFFFFFFF  }
0xb7: {  	_ =	strace $0x90000048  }
0xb8: {  	_ =	sfence  }
0xb9: {  	s30 =	sld [smem:$0x0];
	_ =	sdelay $0x2  }
0xba: {  	s31 =	sshll.u32 s1, $0xD;
	s1 =	sshrl.u32 s1, $0x2  }
0xbb: {  	s3 =	sand.u32 $0x4000, s31;
	s1 =	sadd.s32 s1, s30  }
0xbc: {  	s0 =	sor.u32 s3, s0;
	s1 =	sshll.u32 s1, $0x11  }
0xbd: {  	s0 =	sor.u32 s1, s0  }
0xbe: {  	s0 =	sadd.s32 $0x8F2B, s0  }
0xbf: {  	[sflag:s0] =	ssyncadd.remote.s32 $0x1  }
0xc0: {  	_ =	sfence.sel $0xFFFF  }
0xc1: {  	[dreg:$0x0] =	wrdreg $0xFFFFFFFF;
	(pc) =	sbr.abs _section_cstart, $3  }
0xc2: {  	[dreg:$0x1] =	wrdreg $0xFFFFFFFF  }
0xc3: {  	_ =	task.clear_ibuf [dreg:s8], $0x2FFFF;
	_ =	strace $0x9FFFFFFF  }
0xc4: {  	(tm) =	ssettm $0x7FFFFFFF  }
0xc5: {  	_ =	shalt  }
tec
execute0_lowered:
.L_overlay_start_1:
0x0: {  	(tag) =	ssettag $0x1  }
0x1: {  	s4 =	rddreg [dreg:$0x0]  }
0x2: {  	s5 =	rddreg [dreg:$0x1]  }
0x3: {  	s6 =	rddreg [dreg:$0x2]  }
0x4: {  	s0 =	rddreg [dreg:$0x3];
	s3 =	srdreg.scid  }
0x5: {  	s1 =	stileid.u32;
	s2 =	simm.s32 $0x0;
	s11 =	simm.s32 $0x2800  }
0x6: {  	s12 =	simm.s32 $0x80;
	s13 =	simm.s32 $0x5C00;
	s14 =	simm.s32 $0x1  }
0x7: {  	s15 =	simm.s32 $0x2;
	s16 =	simm.s32 $0x9000;
	s17 =	simm.s32 $0x0  }
0x8: {  	s7 =	sand.u32 $0x1, s3;
	s30 =	sshll.u32 s1, $0x1;
	[smem:$0x7FF] =	sst s2  }
0x9: {  	s3 =	sadd.s32 $0x400, s4;
	s8 =	sor.u32 s7, s30;
	_ =	strace $0x80000047  }
.Ltmp0:
0xa: {  	s31 =	ssub.s32 $0x2, s7;
	s9 =	sshll.u32 s8, $0xB;
	(pc) =	sbr.rel .LBB2_1-.Ltmp0, $4  }
0xb: {  	s7 =	sshrl.u32 s31, $0x1;
	s10 =	sshll.u32 s8, $0xA;
	s8 =	sshll.u32 s8, $0x8  }
0xc: {  	s9 =	sadd.s32 s9, s4;
	s7 =	ssub.s32 s31, s7;
	s4 =	sadd.s32 s5, s10  }
0xd: {  	s5 =	sadd.s32 s6, s8;
	s8 =	simm.s32 $0x3;
	s10 =	simm.s32 $0x64  }
0xe: {  	s6 =	sadd.s32 $0x7A4400, s9;
	s7 =	smax.u32 s7, $0x1;
	s9 =	simm.s32 $0x2000  }
.LBB2_40:
0xf: {  	s17 =	sadd.s32 $0x1, s17  }
0x10: {  	p0 =	sne.s32 s17, s7  }
.Ltmp1:
0x11: {  	_ = 	snop;
	(pc) =	sbr.rel @!p0 .LBB2_41-.Ltmp1, $4  }
0x12: {  	[hbm4b:s6+s2] =	stream.linear.scatter [tilespmem:s16], [sflag:$0x3], $0x4000, $0x38;
	[tilespmem:$0xD000] =	vst v63  }
0x13: {  	_ =	swait.ge [sflag:s8], $0x4000  }
0x14: {  	[sflag:s8] =	ssyncset.done $0x0  }
0x15: {  	[sflag:s8] =	ssyncadd.s32 $0xFFFFC000  }
.LBB2_1:
0x16: {  	[tilespmem:s2], [sflag:$0x3] =	stream.linear.gather [hbm4b:s4+s2], $0x2000, $0x38;
	[tilespmem:$0xD000] =	vst v63  }
0x17: {  	_ =	swait.ge [sflag:s8], $0x2000  }
0x18: {  	[sflag:s8] =	ssyncset.done $0x0  }
0x19: {  	[sflag:s8] =	ssyncadd.s32 $0xFFFFE000  }
0x1a: {  	[tilespmem:s9], [sflag:$0x3] =	stream.linear.gather [hbm4b:s5+s2], $0x800, $0x38;
	[tilespmem:$0xD000] =	vst v63  }
0x1b: {  	_ =	swait.ge [sflag:s8], $0x800  }
0x1c: {  	[sflag:s8] =	ssyncset.done $0x0  }
0x1d: {  	[sflag:s8] =	ssyncadd.s32 $0xFFFFF800  }
0x1e: {  	[tilespmem:s11], [sflag:$0x1] =	stream.indirect.gather [hbm4b:s3+s10], $0x80, s2, s10, $0xb8;
	[tilespmem:$0xD000] =	vst v63  }
0x1f: {  	s18 =	simm.s32 $0x0  }
0x20: {  	[tilespmem:s13], [sflag:$0x2] =	stream.indirect.gather [hbm4b:s3+s10], $0x80, s12, s10, $0xb8;
	[tilespmem:$0xD000] =	vst v63  }
.LBB2_2:
0x21: {  	s19 =	sshll.u32 s18, $0x6  }
0x22: {  	_ =	swait.ge [sflag:s14], $0x3200;
	s20 =	sand.u32 $0x780, s19  }
0x23: {  	[sflag:s14] =	ssyncset.done $0x0;
	s21 =	sand.u32 $0x40, s19;
	s19 =	sor.u32 $0x2000, s20  }
0x24: {  	[sflag:s14] =	ssyncadd.s32 $0xFFFFCE00;
	s20 =	sor.u32 s21, s19  }
0x25: {  	v0 =	vld [tilespmem:s20+$0x0];
	_ =	sdelay $0x4  }
0x26: {  	(v2sf) =	vpush v0, $0x0;
	_ =	sdelay $0xe  }
0x27: {  	s20 =	spop (v2sf)  }
0x28: {  	p0 =	sgt.s32 s20, $0x0  }
.Ltmp2:
0x29: {  	_ = 	snop;
	(pc) =	sbr.rel @!p0 .LBB2_3-.Ltmp2, $2  }
0x2a: {  	_ =	sdelay $0x2  }
0x2b: {  	s22 =	simm.s32 $0x2820;
	v0 =	vimm.f32 $0.0e+00  }
0x2c: {  	v1 =	vld [tilespmem:s22+$0x10];
	p0 =	seq.s32 s20, $0x1  }
.Ltmp3:
0x2d: {  	v2 =	vld [tilespmem:s22+$0xFFFFFFF0];
	(pc) =	sbr.rel @p0 .LBB2_12-.Ltmp3, $3  }
0x2e: {  	v3 =	vld [tilespmem:s22+$0x0]  }
0x2f: {  	v4 =	vld [tilespmem:s22+$0xFFFFFFE0];
	_ =	sdelay $0x1  }
0x30: {  	s21 =	sadd.s32 $0xFFFFFFFF, s20;
	s22 =	sadd.s32 $0x80, s22;
	v5 =	vimm.f32 $0.0e+00;
	v6 =	vimm.f32 $0.0e+00;
	v1 =	vadd.f32 v1, v0  }
.LBB2_11:
0x31: {  	v7 =	vld [tilespmem:s22+$0x10];
	p0 =	seq.s32 s21, $0x1;
	s21 =	sadd.s32 $0xFFFFFFFF, s21;
	v0 =	vadd.f32 v2, v0  }
.Ltmp4:
0x32: {  	v2 =	vld [tilespmem:s22+$0xFFFFFFF0];
	v5 =	vadd.f32 v3, v5;
	(pc) =	sbr.rel @!p0 .LBB2_11-.Ltmp4, $3  }
0x33: {  	v3 =	vld [tilespmem:s22+$0x0];
	v6 =	vadd.f32 v4, v6  }
0x34: {  	v4 =	vld [tilespmem:s22+$0xFFFFFFE0];
	_ =	sdelay $0x1  }
0x35: {  	s22 =	sadd.s32 $0x80, s22;
	v1 =	vadd.f32 v7, v1  }
.LBB2_12:
0x36: {  	_ = 	snop  }
0x37: {  	v2 =	vadd.f32 v2, v0  }
0x38: {  	v0 =	vadd.f32 v3, v5;
	v3 =	vadd.f32 v4, v6  }
0x39: {  	p0 =	sgt.u32 s20, $0x31  }
.Ltmp5:
0x3a: {  	_ = 	snop;
	(pc) =	sbr.rel @p0 .LBB2_8-.Ltmp5, $4  }
.Ltmp6:
0x3b: {  	_ = 	snop;
	(pc) =	sbr.rel @!p0 .LBB2_5-.Ltmp6, $4  }
0x3c: {  	_ = 	snop  }
0x3d: {  	_ = 	snop  }
0x3e: {  	_ = 	snop  }
0x3f: {  	_ = 	snop  }
.LBB2_3:
0x40: {  	v1 =	vimm.f32 $0.0e+00;
	v2 =	vimm.f32 $0.0e+00;
	v3 =	vimm.f32 $0.0e+00  }
.LBB2_5:
0x41: {  	s21 =	sshll.u32 s20, $0x9  }
0x42: {  	s21 =	sshra.s32 s21, $0x2  }
0x43: {  	s31 =	ssub.s32 $0x32, s20;
	s21 =	sadd.s32 $0x2870, s21  }
0x44: {  	p0 =	sne.s32 s31, $0x1;
	v7 =	vld [tilespmem:s21+$0x0]  }
.Ltmp7:
0x45: {  	v4 =	vld [tilespmem:s21+$0xFFFFFFE0];
	(pc) =	sbr.rel @!p0 .LBB2_7-.Ltmp7, $3  }
0x46: {  	v5 =	vld [tilespmem:s21+$0xFFFFFFF0]  }
0x47: {  	v6 =	vld [tilespmem:s21+$0xFFFFFFD0];
	_ =	sdelay $0x1  }
0x48: {  	s20 =	sadd.s32 $0xFFFFFFFF, s31;
	s21 =	sadd.s32 $0x80, s21;
	v1 =	vadd.f32 v7, v1  }
.LBB2_6:
0x49: {  	v7 =	vld [tilespmem:s21+$0x0];
	p0 =	sne.s32 s20, $0x1;
	s20 =	sadd.s32 $0xFFFFFFFF, s20;
	v2 =	vadd.f32 v4, v2  }
.Ltmp8:
0x4a: {  	v4 =	vld [tilespmem:s21+$0xFFFFFFE0];
	v0 =	vadd.f32 v5, v0;
	(pc) =	sbr.rel @p0 .LBB2_6-.Ltmp8, $3  }
0x4b: {  	v5 =	vld [tilespmem:s21+$0xFFFFFFF0];
	v3 =	vadd.f32 v6, v3  }
0x4c: {  	v6 =	vld [tilespmem:s21+$0xFFFFFFD0];
	_ =	sdelay $0x1  }
0x4d: {  	s21 =	sadd.s32 $0x80, s21;
	v1 =	vadd.f32 v7, v1  }
.LBB2_7:
0x4e: {  	_ = 	snop  }
0x4f: {  	v2 =	vadd.f32 v4, v2  }
0x50: {  	v0 =	vadd.f32 v5, v0;
	v3 =	vadd.f32 v6, v3  }
.LBB2_8:
0x51: {  	s20 =	sshll.u32 s18, $0x9;
	v2 =	vmul.f32 $1.999999960e-02, v2  }
0x52: {  	s21 =	sshll.u32 s18, $0x2;
	v1 =	vmul.f32 $1.999999960e-02, v1;
	s22 =	sand.u32 $0x3FFFFE00, s20  }
0x53: {  	v3 =	vmul.f32 $1.999999960e-02, v3;
	s20 =	sor.u32 $0x1, s21;
	[tilespmem:s22+$0x9010] =	vst v2  }
0x54: {  	v0 =	vmul.f32 $1.999999960e-02, v0;
	s23 =	sshll.u32 s20, $0x4;
	[tilespmem:s22+$0x9030] =	vst v1  }
0x55: {  	[tilespmem:s22+$0x9000] =	vst v3;
	s23 =	sand.u32 $0x50, s23  }
0x56: {  	[tilespmem:s22+$0x9020] =	vst v0;
	s31 =	sadd.s32 s23, s19  }
0x57: {  	v0 =	vld [tilespmem:s31+$0x0];
	_ =	sdelay $0x4  }
0x58: {  	(v2sf) =	vpush v0, $0x0;
	_ =	sdelay $0xe  }
0x59: {  	s22 =	spop (v2sf)  }
0x5a: {  	p0 =	sgt.s32 s22, $0x0  }
.Ltmp9:
0x5b: {  	_ = 	snop;
	(pc) =	sbr.rel @!p0 .LBB2_9-.Ltmp9, $2  }
0x5c: {  	_ =	sdelay $0x2  }
0x5d: {  	s24 =	simm.s32 $0x4130;
	v0 =	vimm.f32 $0.0e+00  }
0x5e: {  	v1 =	vld [tilespmem:s24+$0x0];
	p0 =	seq.s32 s22, $0x1  }
.Ltmp10:
0x5f: {  	v2 =	vld [tilespmem:s24+$0xFFFFFFE0];
	(pc) =	sbr.rel @p0 .LBB2_21-.Ltmp10, $3  }
0x60: {  	v3 =	vld [tilespmem:s24+$0xFFFFFFF0]  }
0x61: {  	v4 =	vld [tilespmem:s24+$0xFFFFFFD0];
	_ =	sdelay $0x1  }
0x62: {  	s23 =	sadd.s32 $0xFFFFFFFF, s22;
	s24 =	sadd.s32 $0x80, s24;
	v5 =	vimm.f32 $0.0e+00;
	v6 =	vimm.f32 $0.0e+00;
	v1 =	vadd.f32 v1, v0  }
.LBB2_20:
0x63: {  	v7 =	vld [tilespmem:s24+$0x0];
	p0 =	seq.s32 s23, $0x1;
	s23 =	sadd.s32 $0xFFFFFFFF, s23;
	v0 =	vadd.f32 v2, v0  }
.Ltmp11:
0x64: {  	v2 =	vld [tilespmem:s24+$0xFFFFFFE0];
	v5 =	vadd.f32 v3, v5;
	(pc) =	sbr.rel @!p0 .LBB2_20-.Ltmp11, $3  }
0x65: {  	v3 =	vld [tilespmem:s24+$0xFFFFFFF0];
	v6 =	vadd.f32 v4, v6  }
0x66: {  	v4 =	vld [tilespmem:s24+$0xFFFFFFD0];
	_ =	sdelay $0x1  }
0x67: {  	s24 =	sadd.s32 $0x80, s24;
	v1 =	vadd.f32 v7, v1  }
.LBB2_21:
0x68: {  	_ = 	snop  }
0x69: {  	v2 =	vadd.f32 v2, v0  }
0x6a: {  	v0 =	vadd.f32 v3, v5;
	v3 =	vadd.f32 v4, v6  }
0x6b: {  	p0 =	sgt.u32 s22, $0x31  }
.Ltmp12:
0x6c: {  	_ = 	snop;
	(pc) =	sbr.rel @p0 .LBB2_17-.Ltmp12, $4  }
.Ltmp13:
0x6d: {  	_ = 	snop;
	(pc) =	sbr.rel @!p0 .LBB2_14-.Ltmp13, $4  }
0x6e: {  	_ = 	snop  }
0x6f: {  	_ = 	snop  }
0x70: {  	_ = 	snop  }
0x71: {  	_ = 	snop  }
.LBB2_9:
0x72: {  	v1 =	vimm.f32 $0.0e+00;
	v2 =	vimm.f32 $0.0e+00;
	v3 =	vimm.f32 $0.0e+00  }
.LBB2_14:
0x73: {  	s23 =	sshll.u32 s22, $0x9  }
0x74: {  	s23 =	sshra.s32 s23, $0x2  }
0x75: {  	s31 =	ssub.s32 $0x32, s22;
	s23 =	sadd.s32 $0x4170, s23  }
0x76: {  	p0 =	sne.s32 s31, $0x1;
	v7 =	vld [tilespmem:s23+$0x0]  }
.Ltmp14:
0x77: {  	v4 =	vld [tilespmem:s23+$0xFFFFFFE0];
	(pc) =	sbr.rel @!p0 .LBB2_16-.Ltmp14, $3  }
0x78: {  	v5 =	vld [tilespmem:s23+$0xFFFFFFF0]  }
0x79: {  	v6 =	vld [tilespmem:s23+$0xFFFFFFD0];
	_ =	sdelay $0x1  }
0x7a: {  	s22 =	sadd.s32 $0xFFFFFFFF, s31;
	s23 =	sadd.s32 $0x80, s23;
	v1 =	vadd.f32 v7, v1  }
.LBB2_15:
0x7b: {  	v7 =	vld [tilespmem:s23+$0x0];
	p0 =	sne.s32 s22, $0x1;
	s22 =	sadd.s32 $0xFFFFFFFF, s22;
	v2 =	vadd.f32 v4, v2  }
.Ltmp15:
0x7c: {  	v4 =	vld [tilespmem:s23+$0xFFFFFFE0];
	v0 =	vadd.f32 v5, v0;
	(pc) =	sbr.rel @p0 .LBB2_15-.Ltmp15, $3  }
0x7d: {  	v5 =	vld [tilespmem:s23+$0xFFFFFFF0];
	v3 =	vadd.f32 v6, v3  }
0x7e: {  	v6 =	vld [tilespmem:s23+$0xFFFFFFD0];
	_ =	sdelay $0x1  }
0x7f: {  	s23 =	sadd.s32 $0x80, s23;
	v1 =	vadd.f32 v7, v1  }
.LBB2_16:
0x80: {  	_ = 	snop  }
0x81: {  	v2 =	vadd.f32 v4, v2  }
0x82: {  	v0 =	vadd.f32 v5, v0;
	v3 =	vadd.f32 v6, v3  }
.LBB2_17:
0x83: {  	s20 =	sshll.u32 s20, $0x7;
	v2 =	vmul.f32 $1.999999960e-02, v2  }
0x84: {  	v1 =	vmul.f32 $1.999999960e-02, v1;
	s22 =	sand.u32 $0x3FFFFF80, s20  }
0x85: {  	v3 =	vmul.f32 $1.999999960e-02, v3;
	[tilespmem:s22+$0x9010] =	vst v2  }
0x86: {  	p0 =	seq.s32 s18, $0x1F;
	v0 =	vmul.f32 $1.999999960e-02, v0;
	s20 =	sshll.u32 s18, $0xA;
	[tilespmem:s22+$0x9030] =	vst v1  }
0x87: {  	s23 =	sshrl.u32 @!p0 s20, $0x2;
	[tilespmem:s22+$0x9000] =	vst v3  }
0x88: {  	s24 =	simm.s32 @!p0 $0x2800;
	[tilespmem:s22+$0x9020] =	vst v0;
	s22 =	sadd.s32 @!p0 $0x100, s23;
	s23 =	simm.s32 @!p0 $0x64  }
0x89: {  	[tilespmem:s24], [sflag:$0x1] =	stream.indirect.gather @!p0 [hbm4b:s3+s23], $0x80, s22, s23, $0xb8;
	[tilespmem:$0xD000] =	vst v63  }
0x8a: {  	s22 =	sor.u32 $0x2, s21  }
0x8b: {  	_ =	swait.ge [sflag:s15], $0x3200;
	s31 =	sshll.u32 s22, $0x4  }
0x8c: {  	[sflag:s15] =	ssyncset.done $0x0;
	s23 =	sand.u32 $0x60, s31  }
0x8d: {  	[sflag:s15] =	ssyncadd.s32 $0xFFFFCE00;
	s23 =	sadd.s32 s23, s19  }
0x8e: {  	v0 =	vld [tilespmem:s23+$0x0];
	_ =	sdelay $0x4  }
0x8f: {  	(v2sf) =	vpush v0, $0x0;
	_ =	sdelay $0xe  }
0x90: {  	s23 =	spop (v2sf)  }
0x91: {  	p1 =	sgt.s32 s23, $0x0  }
.Ltmp16:
0x92: {  	_ = 	snop;
	(pc) =	sbr.rel @!p1 .LBB2_18-.Ltmp16, $2  }
0x93: {  	_ =	sdelay $0x2  }
0x94: {  	s25 =	simm.s32 $0x5C30;
	v0 =	vimm.f32 $0.0e+00  }
0x95: {  	v1 =	vld [tilespmem:s25+$0x0];
	p1 =	seq.s32 s23, $0x1  }
.Ltmp17:
0x96: {  	v2 =	vld [tilespmem:s25+$0xFFFFFFE0];
	(pc) =	sbr.rel @p1 .LBB2_30-.Ltmp17, $3  }
0x97: {  	v3 =	vld [tilespmem:s25+$0xFFFFFFF0]  }
0x98: {  	v4 =	vld [tilespmem:s25+$0xFFFFFFD0];
	_ =	sdelay $0x1  }
0x99: {  	s24 =	sadd.s32 $0xFFFFFFFF, s23;
	s25 =	sadd.s32 $0x80, s25;
	v5 =	vimm.f32 $0.0e+00;
	v6 =	vimm.f32 $0.0e+00;
	v1 =	vadd.f32 v1, v0  }
.LBB2_29:
0x9a: {  	v7 =	vld [tilespmem:s25+$0x0];
	p1 =	seq.s32 s24, $0x1;
	s24 =	sadd.s32 $0xFFFFFFFF, s24;
	v0 =	vadd.f32 v2, v0  }
.Ltmp18:
0x9b: {  	v2 =	vld [tilespmem:s25+$0xFFFFFFE0];
	v5 =	vadd.f32 v3, v5;
	(pc) =	sbr.rel @!p1 .LBB2_29-.Ltmp18, $3  }
0x9c: {  	v3 =	vld [tilespmem:s25+$0xFFFFFFF0];
	v6 =	vadd.f32 v4, v6  }
0x9d: {  	v4 =	vld [tilespmem:s25+$0xFFFFFFD0];
	_ =	sdelay $0x1  }
0x9e: {  	s25 =	sadd.s32 $0x80, s25;
	v1 =	vadd.f32 v7, v1  }
.LBB2_30:
0x9f: {  	_ = 	snop  }
0xa0: {  	v2 =	vadd.f32 v2, v0  }
0xa1: {  	v0 =	vadd.f32 v3, v5;
	v3 =	vadd.f32 v4, v6  }
0xa2: {  	p1 =	sgt.u32 s23, $0x31  }
.Ltmp19:
0xa3: {  	_ = 	snop;
	(pc) =	sbr.rel @p1 .LBB2_26-.Ltmp19, $4  }
.Ltmp20:
0xa4: {  	_ = 	snop;
	(pc) =	sbr.rel @!p1 .LBB2_23-.Ltmp20, $4  }
0xa5: {  	_ = 	snop  }
0xa6: {  	_ = 	snop  }
0xa7: {  	_ = 	snop  }
0xa8: {  	_ = 	snop  }
.LBB2_18:
0xa9: {  	v1 =	vimm.f32 $0.0e+00;
	v2 =	vimm.f32 $0.0e+00;
	v3 =	vimm.f32 $0.0e+00  }
.LBB2_23:
0xaa: {  	s24 =	sshll.u32 s23, $0x9  }
0xab: {  	s24 =	sshra.s32 s24, $0x2  }
0xac: {  	s31 =	ssub.s32 $0x32, s23;
	s24 =	sadd.s32 $0x5C70, s24  }
0xad: {  	p1 =	sne.s32 s31, $0x1;
	v7 =	vld [tilespmem:s24+$0x0]  }
.Ltmp21:
0xae: {  	v4 =	vld [tilespmem:s24+$0xFFFFFFE0];
	(pc) =	sbr.rel @!p1 .LBB2_25-.Ltmp21, $3  }
0xaf: {  	v5 =	vld [tilespmem:s24+$0xFFFFFFF0]  }
0xb0: {  	v6 =	vld [tilespmem:s24+$0xFFFFFFD0];
	_ =	sdelay $0x1  }
0xb1: {  	s23 =	sadd.s32 $0xFFFFFFFF, s31;
	s24 =	sadd.s32 $0x80, s24;
	v1 =	vadd.f32 v7, v1  }
.LBB2_24:
0xb2: {  	v7 =	vld [tilespmem:s24+$0x0];
	p1 =	sne.s32 s23, $0x1;
	s23 =	sadd.s32 $0xFFFFFFFF, s23;
	v2 =	vadd.f32 v4, v2  }
.Ltmp22:
0xb3: {  	v4 =	vld [tilespmem:s24+$0xFFFFFFE0];
	v0 =	vadd.f32 v5, v0;
	(pc) =	sbr.rel @p1 .LBB2_24-.Ltmp22, $3  }
0xb4: {  	v5 =	vld [tilespmem:s24+$0xFFFFFFF0];
	v3 =	vadd.f32 v6, v3  }
0xb5: {  	v6 =	vld [tilespmem:s24+$0xFFFFFFD0];
	_ =	sdelay $0x1  }
0xb6: {  	s24 =	sadd.s32 $0x80, s24;
	v1 =	vadd.f32 v7, v1  }
.LBB2_25:
0xb7: {  	_ = 	snop  }
0xb8: {  	v2 =	vadd.f32 v4, v2  }
0xb9: {  	v0 =	vadd.f32 v5, v0;
	v3 =	vadd.f32 v6, v3  }
.LBB2_26:
0xba: {  	s22 =	sshll.u32 s22, $0x7;
	v2 =	vmul.f32 $1.999999960e-02, v2  }
0xbb: {  	v1 =	vmul.f32 $1.999999960e-02, v1;
	s22 =	sand.u32 $0x3FFFFF80, s22  }
0xbc: {  	s21 =	sor.u32 $0x3, s21;
	v3 =	vmul.f32 $1.999999960e-02, v3;
	[tilespmem:s22+$0x9010] =	vst v2  }
0xbd: {  	v0 =	vmul.f32 $1.999999960e-02, v0;
	s23 =	sshll.u32 s21, $0x4;
	[tilespmem:s22+$0x9030] =	vst v1  }
0xbe: {  	s23 =	sand.u32 $0x70, s23;
	[tilespmem:s22+$0x9000] =	vst v3  }
0xbf: {  	[tilespmem:s22+$0x9020] =	vst v0;
	s19 =	sadd.s32 s23, s19  }
0xc0: {  	v0 =	vld [tilespmem:s19+$0x0];
	_ =	sdelay $0x4  }
0xc1: {  	(v2sf) =	vpush v0, $0x0;
	_ =	sdelay $0xe  }
0xc2: {  	s19 =	spop (v2sf)  }
0xc3: {  	p1 =	sgt.s32 s19, $0x0  }
.Ltmp23:
0xc4: {  	_ = 	snop;
	(pc) =	sbr.rel @!p1 .LBB2_27-.Ltmp23, $2  }
0xc5: {  	_ =	sdelay $0x2  }
0xc6: {  	s23 =	simm.s32 $0x7500;
	v0 =	vimm.f32 $0.0e+00  }
0xc7: {  	v1 =	vld [tilespmem:s23+$0x30];
	p1 =	seq.s32 s19, $0x1  }
.Ltmp24:
0xc8: {  	v2 =	vld [tilespmem:s23+$0x10];
	(pc) =	sbr.rel @p1 .LBB2_39-.Ltmp24, $3  }
0xc9: {  	v3 =	vld [tilespmem:s23+$0x20]  }
0xca: {  	v4 =	vld [tilespmem:s23+$0x0];
	_ =	sdelay $0x1  }
0xcb: {  	s22 =	sadd.s32 $0xFFFFFFFF, s19;
	s23 =	sadd.s32 $0x80, s23;
	v5 =	vimm.f32 $0.0e+00;
	v6 =	vimm.f32 $0.0e+00;
	v1 =	vadd.f32 v1, v0  }
.LBB2_38:
0xcc: {  	v7 =	vld [tilespmem:s23+$0x30];
	p1 =	seq.s32 s22, $0x1;
	s22 =	sadd.s32 $0xFFFFFFFF, s22;
	v0 =	vadd.f32 v2, v0  }
.Ltmp25:
0xcd: {  	v2 =	vld [tilespmem:s23+$0x10];
	v5 =	vadd.f32 v3, v5;
	(pc) =	sbr.rel @!p1 .LBB2_38-.Ltmp25, $3  }
0xce: {  	v3 =	vld [tilespmem:s23+$0x20];
	v6 =	vadd.f32 v4, v6  }
0xcf: {  	v4 =	vld [tilespmem:s23+$0x0];
	_ =	sdelay $0x1  }
0xd0: {  	s23 =	sadd.s32 $0x80, s23;
	v1 =	vadd.f32 v7, v1  }
.LBB2_39:
0xd1: {  	_ = 	snop  }
0xd2: {  	v2 =	vadd.f32 v2, v0  }
0xd3: {  	v0 =	vadd.f32 v3, v5;
	v3 =	vadd.f32 v4, v6  }
0xd4: {  	p1 =	sgt.u32 s19, $0x31  }
.Ltmp26:
0xd5: {  	_ = 	snop;
	(pc) =	sbr.rel @p1 .LBB2_35-.Ltmp26, $4  }
.Ltmp27:
0xd6: {  	_ = 	snop;
	(pc) =	sbr.rel @!p1 .LBB2_32-.Ltmp27, $4  }
0xd7: {  	_ = 	snop  }
0xd8: {  	_ = 	snop  }
0xd9: {  	_ = 	snop  }
0xda: {  	_ = 	snop  }
.LBB2_27:
0xdb: {  	v1 =	vimm.f32 $0.0e+00;
	v2 =	vimm.f32 $0.0e+00;
	v3 =	vimm.f32 $0.0e+00  }
.LBB2_32:
0xdc: {  	s22 =	sshll.u32 s19, $0x9  }
0xdd: {  	s22 =	sshra.s32 s22, $0x2  }
0xde: {  	s31 =	ssub.s32 $0x32, s19;
	s22 =	sadd.s32 $0x7540, s22  }
0xdf: {  	p1 =	sne.s32 s31, $0x1;
	v7 =	vld [tilespmem:s22+$0x30]  }
.Ltmp28:
0xe0: {  	v4 =	vld [tilespmem:s22+$0x10];
	(pc) =	sbr.rel @!p1 .LBB2_34-.Ltmp28, $3  }
0xe1: {  	v5 =	vld [tilespmem:s22+$0x20]  }
0xe2: {  	v6 =	vld [tilespmem:s22+$0x0];
	_ =	sdelay $0x1  }
0xe3: {  	s19 =	sadd.s32 $0xFFFFFFFF, s31;
	s22 =	sadd.s32 $0x80, s22;
	v1 =	vadd.f32 v7, v1  }
.LBB2_33:
0xe4: {  	v7 =	vld [tilespmem:s22+$0x30];
	p1 =	sne.s32 s19, $0x1;
	s19 =	sadd.s32 $0xFFFFFFFF, s19;
	v2 =	vadd.f32 v4, v2  }
.Ltmp29:
0xe5: {  	v4 =	vld [tilespmem:s22+$0x10];
	v0 =	vadd.f32 v5, v0;
	(pc) =	sbr.rel @p1 .LBB2_33-.Ltmp29, $3  }
0xe6: {  	v5 =	vld [tilespmem:s22+$0x20];
	v3 =	vadd.f32 v6, v3  }
0xe7: {  	v6 =	vld [tilespmem:s22+$0x0];
	_ =	sdelay $0x1  }
0xe8: {  	s22 =	sadd.s32 $0x80, s22;
	v1 =	vadd.f32 v7, v1  }
.LBB2_34:
0xe9: {  	_ = 	snop  }
0xea: {  	v2 =	vadd.f32 v4, v2  }
0xeb: {  	v0 =	vadd.f32 v5, v0;
	v3 =	vadd.f32 v6, v3  }
.LBB2_35:
0xec: {  	s19 =	sshll.u32 s21, $0x7;
	v2 =	vmul.f32 $1.999999960e-02, v2  }
.Ltmp30:
0xed: {  	v1 =	vmul.f32 $1.999999960e-02, v1;
	s19 =	sand.u32 $0x3FFFFF80, s19;
	(pc) =	sbr.rel @p0 .LBB2_40-.Ltmp30, $4  }
0xee: {  	v3 =	vmul.f32 $1.999999960e-02, v3;
	[tilespmem:s19+$0x9010] =	vst v2  }
0xef: {  	v0 =	vmul.f32 $1.999999960e-02, v0;
	[tilespmem:s19+$0x9030] =	vst v1  }
0xf0: {  	[tilespmem:s19+$0x9000] =	vst v3  }
0xf1: {  	[tilespmem:s19+$0x9020] =	vst v0  }
.Ltmp31:
0xf2: {  	(pc) =	sbr.rel .LBB2_2-.Ltmp31, $4  }
0xf3: {  	_ = 	snop  }
0xf4: {  	s19 =	sshrl.u32 s20, $0x2  }
0xf5: {  	s18 =	sadd.s32 $0x1, s18;
	s19 =	sadd.s32 $0x180, s19  }
0xf6: {  	[tilespmem:s13], [sflag:$0x2] =	stream.indirect.gather [hbm4b:s3+s10], $0x80, s19, s10, $0xb8;
	[tilespmem:$0xD000] =	vst v63  }
.LBB2_41:
0xf7: {  	_ =	sfence.sel $0x180000  }
0xf8: {  	[bflag:$0x0] =	sbarrier.arrive $0xFFFF  }
0xf9: {  	p0 =	sne.s32 s1, $0x0;
	_ =	strace $0x90000047  }
0xfa: {  	s0 =	sadd.s32 @!p0 $0x100000, s0;
	[bflag:$0x2] =	sbarrier.arrive $0xFFFF  }
0xfb: {  	[sflag:s0] =	ssyncadd.tile.s32 @!p0 $0x1;
	_ =	shalt  }
.Lfunc_end2:
_tile_overlayer_lowered:
.L_overlay_start_2:
0xfc: {  	(tag) =	ssettag $0x2  }
0xfd: {  	s0 =	rddreg [dreg:$0x0];
	s2 =	stileid.u32  }
0xfe: {  	s1 =	rddreg [dreg:$0x1];
	p0 =	sne.s32 s2, $0x0  }
0xff: {  	s3 =	rddreg [dreg:$0x2];
	[bflag:$0x3] =	sbarrier.arrive $0xFFFF;
	s2 =	simm.s32 @!p0 $0x1C03  }
0x100: {  	[timem:s3], [sflag:s2] =	dma.local @!p0 [hbm:s0], s1  }
0x101: {  	s0 =	simm.s32 @!p0 $0x3  }
0x102: {  	_ =	swait.ge @!p0 [sflag:s0], s1  }
0x103: {  	s1 =	ssub.s32 @!p0 $0x0, s1;
	[sflag:s0] =	ssyncset.done @!p0 $0x0  }
0x104: {  	[sflag:s0] =	ssyncadd.s32 @!p0 s1  }
0x105: {  	[bflag:$0x3] =	sbarrier.arrive $0xFFFF  }
0x106: {  	_ =	shalt  }

</sc_bundles>
